<compile_context>
chip_gen: v7x
topology: tpu7x:2x2x1
jax: 0.10.2.dev20260603
libtpu: 0.0.44.dev20260713+nightly
codegen_flags: <defaults>
</compile_context>

<pallas_src>
import functools

import jax
import jax.numpy as jnp
from jax import lax
from jax.experimental import pallas as pl
from jax.experimental.pallas import tpu as pltpu
from jax.experimental.pallas import tpu_sc as plsc

NC = 2
NS = 16
NW = NC * NS
CHUNK = 128
SPLIT0 = 68
DEG_P = 10240
DEG_PER_TILE = DEG_P // NS


def _mesh():
    return plsc.VectorSubcoreMesh(
        core_axis_name="c", subcore_axis_name="s", num_cores=NC, num_subcores=NS
    )


def _zero_vec(ref, n_rows, n_lanes):
    z = jnp.zeros((16,), jnp.float32)
    if len(ref.shape) == 1:
        def body(i, _):
            ref[pl.ds(i * 16, 16)] = z
            return 0
        lax.fori_loop(0, ref.shape[0] // 16, body, 0)
    else:
        def body(i, _):
            for l in range(n_lanes):
                ref[i, pl.ds(l * 16, 16)] = z
            return 0
        lax.fori_loop(0, n_rows, body, 0)


DEG_CHUNK = 128


def _make_deg_kernel(K):

    @functools.partial(
        pl.kernel,
        out_type=jax.ShapeDtypeStruct((NC, DEG_P), jnp.float32),
        mesh=_mesh(),
        scratch_types=[
            pltpu.VMEM((K, DEG_CHUNK), jnp.int32),
            pltpu.VMEM((DEG_CHUNK,), jnp.float32),
            pltpu.VMEM((DEG_PER_TILE,), jnp.float32),
            pltpu.VMEM_SHARED((DEG_P,), jnp.float32),
        ],
    )
    def deg_kernel(dstw_hbm, degp_hbm, idx_v, ones_v, zv, deg_sh):
        c = lax.axis_index("c")
        s = lax.axis_index("s")
        wid = c * NS + s

        _zero_vec(zv, None, None)
        one = jnp.ones((16,), jnp.float32)
        for l in range(DEG_CHUNK // 16):
            ones_v[pl.ds(l * 16, 16)] = one

        pltpu.sync_copy(zv, deg_sh.at[pl.ds(s * DEG_PER_TILE, DEG_PER_TILE)])
        plsc.subcore_barrier()

        pltpu.sync_copy(dstw_hbm.at[wid], idx_v)

        def body(j, _):
            pltpu.sync_copy(ones_v, deg_sh.at[idx_v.at[j]], add=True)
            return 0

        lax.fori_loop(0, K, body, 0)
        plsc.subcore_barrier()

        pltpu.sync_copy(
            deg_sh.at[pl.ds(s * DEG_PER_TILE, DEG_PER_TILE)],
            degp_hbm.at[c, pl.ds(s * DEG_PER_TILE, DEG_PER_TILE)],
        )

    return deg_kernel


def _make_scatter_kernel(N, D, K0, K1, acc_rows):
    stride = ((-(-N // NS)) + 7) // 8 * 8
    last_rows = N - stride * (NS - 1)
    assert last_rows > 0 and acc_rows == stride * NS
    Kmax = max(K0, K1)

    @functools.partial(
        pl.kernel,
        out_type=jax.ShapeDtypeStruct((NC, N, D), jnp.float32),
        mesh=_mesh(),
        scratch_types=[
            pltpu.VMEM((Kmax, CHUNK), jnp.int32),
            pltpu.VMEM((Kmax, CHUNK), jnp.int32),
            pltpu.VMEM((CHUNK, D), jnp.float32),
            pltpu.VMEM((16, D), jnp.float32),
            pltpu.VMEM_SHARED((acc_rows, D), jnp.float32),
            pltpu.SemaphoreType.DMA,
        ],
    )
    def scat_kernel(g_hbm, srcw_hbm, dstw_hbm, sp_hbm, sidx, didx, rows0, zrow,
                    acc_sh, sem_g):
        c = lax.axis_index("c")
        s = lax.axis_index("s")
        wid = c * NS + s
        kc = jnp.where(c == 0, K0, K1)

        _zero_vec(zrow, 16, D // 16)

        acc_per_tile = acc_rows // NS
        n_full = acc_per_tile // 16
        rem = acc_per_tile - n_full * 16

        def zbody(t, _):
            pltpu.sync_copy(
                zrow, acc_sh.at[pl.ds(s * acc_per_tile + t * 16, 16)]
            )
            return 0

        lax.fori_loop(0, n_full, zbody, 0)
        if rem:
            pltpu.sync_copy(
                zrow.at[pl.ds(0, rem)],
                acc_sh.at[pl.ds(s * acc_per_tile + n_full * 16, rem)],
            )
        plsc.subcore_barrier()

        pltpu.sync_copy(srcw_hbm.at[wid], sidx)
        pltpu.sync_copy(dstw_hbm.at[wid], didx)

        def body(j, _):
            pltpu.async_copy(g_hbm.at[sidx.at[j]], rows0, sem_g).wait()
            pltpu.sync_copy(rows0, acc_sh.at[didx.at[j]], add=True)
            return 0

        lax.fori_loop(0, kc, body, 0)
        plsc.subcore_barrier()

        @pl.when(s != NS - 1)
        def _():
            pltpu.sync_copy(
                acc_sh.at[pl.ds(s * stride, stride)],
                sp_hbm.at[c, pl.ds(s * stride, stride)],
            )

        @pl.when(s == NS - 1)
        def _():
            pltpu.sync_copy(
                acc_sh.at[pl.ds((NS - 1) * stride, last_rows)],
                sp_hbm.at[c, pl.ds((NS - 1) * stride, last_rows)],
            )

    return scat_kernel


def _t1_body(x_ref, w_ref, degp_ref, out_ref):
    deg = degp_ref[:, 0] + degp_ref[:, 1] + 1.0
    dinv = lax.rsqrt(deg)
    p = jnp.dot(x_ref[...], w_ref[...], preferred_element_type=jnp.float32)
    out_ref[...] = p * dinv[:, None]


def _t2_body(s0_ref, s1_ref, g_ref, degp_ref, b_ref, w_ref, out_ref):
    deg = degp_ref[:, 0] + degp_ref[:, 1] + 1.0
    dinv = lax.rsqrt(deg)
    ssum = (s0_ref[...].astype(jnp.float32) + s1_ref[...].astype(jnp.float32)
            + g_ref[...].astype(jnp.float32))
    agg = ssum * dinv[:, None] + b_ref[...]
    h = jnp.maximum(agg, 0.0)
    p = jnp.dot(h, w_ref[...], preferred_element_type=jnp.float32)
    out_ref[...] = p * dinv[:, None]


def _t3_body(s0_ref, s1_ref, g_ref, degp_ref, b_ref, wfc_ref, bfc_ref, out_ref):
    deg = degp_ref[:, 0] + degp_ref[:, 1] + 1.0
    dinv = lax.rsqrt(deg)
    ssum = (s0_ref[...].astype(jnp.float32) + s1_ref[...].astype(jnp.float32)
            + g_ref[...].astype(jnp.float32))
    agg = ssum * dinv[:, None] + b_ref[...]
    h = jnp.maximum(agg, 0.0)
    y = jnp.dot(h, wfc_ref[...], preferred_element_type=jnp.float32) + bfc_ref[...]
    m = jnp.max(y, axis=1, keepdims=True)
    lse = jnp.log(jnp.sum(jnp.exp(y - m), axis=1, keepdims=True)) + m
    out_ref[...] = y - lse


def kernel(x, edge_index, W1, b1, W2, b2, Wfc, bfc):
    N, D_IN = x.shape
    D_H = W1.shape[1]
    D_OUT = Wfc.shape[1]
    E = edge_index.shape[1]

    per_w = -(-E // NW)
    total_chunks = -(-E // CHUNK)
    K0 = -(-(total_chunks * SPLIT0) // (100 * NS))
    K1 = -(-(total_chunks * (100 - SPLIT0)) // (100 * NS))
    while NS * (K0 + K1) * CHUNK < E:
        K1 += 1
    Kmax = max(K0, K1)
    C0 = K0 * CHUNK
    C1 = K1 * CHUNK
    acc_rows = ((-(-N // NS)) + 7) // 8 * 8 * NS

    src = edge_index[0]
    dst = edge_index[1]
    pad = NS * (C0 + C1) - E

    def split(arr, fill):
        a = jnp.concatenate([arr, jnp.full((pad,), fill, jnp.int32)])
        a0 = a[: NS * C0].reshape(NS, K0, CHUNK)
        a1 = a[NS * C0:].reshape(NS, K1, CHUNK)
        a0 = jnp.concatenate(
            [a0, jnp.full((NS, Kmax - K0, CHUNK), fill, jnp.int32)], axis=1)
        a1 = jnp.concatenate(
            [a1, jnp.full((NS, Kmax - K1, CHUNK), fill, jnp.int32)], axis=1)
        return jnp.concatenate([a0, a1], axis=0)

    srcw = split(src, 0)
    dstw = split(dst, N)

    Kd = -(-per_w // DEG_CHUNK)
    EPd = NW * Kd * DEG_CHUNK
    dstd = jnp.concatenate(
        [dst, jnp.full((EPd - E,), N, jnp.int32)]).reshape(NW, Kd, DEG_CHUNK)
    degp = _make_deg_kernel(Kd)(dstd)
    degn = degp[:, :N].T

    BR = 2000
    grid = (N // BR,)
    row_spec = lambda d: pl.BlockSpec((BR, d), lambda i: (i, 0))
    deg_spec = pl.BlockSpec((BR, NC), lambda i: (i, 0))
    full_spec = lambda a, b: pl.BlockSpec((a, b), lambda i: (0, 0))

    g1 = pl.pallas_call(
        _t1_body,
        grid=grid,
        in_specs=[row_spec(D_IN), full_spec(D_IN, D_H), deg_spec],
        out_specs=row_spec(D_H),
        out_shape=jax.ShapeDtypeStruct((N, D_H), jnp.float32),
    )(x, W1, degn)

    scat = _make_scatter_kernel(N, D_H, K0, K1, acc_rows)
    sp1 = scat(g1, srcw, dstw)

    b1r = b1.reshape(1, D_H)
    g2 = pl.pallas_call(
        _t2_body,
        grid=grid,
        in_specs=[row_spec(D_H), row_spec(D_H), row_spec(D_H), deg_spec,
                  full_spec(1, D_H), full_spec(D_H, D_H)],
        out_specs=row_spec(D_H),
        out_shape=jax.ShapeDtypeStruct((N, D_H), jnp.float32),
    )(sp1[0], sp1[1], g1, degn, b1r, W2)

    sp2 = scat(g2, srcw, dstw)

    b2r = b2.reshape(1, D_H)
    bfcr = bfc.reshape(1, D_OUT)
    out = pl.pallas_call(
        _t3_body,
        grid=grid,
        in_specs=[row_spec(D_H), row_spec(D_H), row_spec(D_H), deg_spec,
                  full_spec(1, D_H), full_spec(D_H, D_OUT), full_spec(1, D_OUT)],
        out_specs=pl.BlockSpec((BR, D_OUT), lambda i: (i, 0)),
        out_shape=jax.ShapeDtypeStruct((N, D_OUT), jnp.float32),
    )(sp2[0], sp2[1], g2, degn, b2r, Wfc, bfcr)

    return out

# --- scband reference (transcript-rebuilt; emitter-appended) ---
"""Pipeline reference for scband-gcn-31241592111373 (READ-ONLY COPY).

The authoritative reference and input builder live on the scoring server;
editing this copy changes nothing except your own understanding.
"""

import jax, jax.numpy as jnp
import numpy as np

N = 10000
E = 320000
D_IN = 128
D_H = 128
D_OUT = 64


def setup_inputs(seed: int = 0) -> dict:
    key = jax.random.key(seed)
    ks = jax.random.split(key, 9)
    x = jax.random.normal(ks[0], (N, D_IN), dtype=jnp.float32)
    edge_index = jax.random.randint(ks[1], (2, E), 0, N, dtype=jnp.int32)
    def glorot(k, shape):
        lim = float(np.sqrt(6.0 / (shape[0] + shape[1])))
        return jax.random.uniform(k, shape, jnp.float32, -lim, lim)
    W1 = glorot(ks[2], (D_IN, D_H))
    b1 = jnp.zeros((D_H,), jnp.float32)
    W2 = glorot(ks[3], (D_H, D_H))
    b2 = jnp.zeros((D_H,), jnp.float32)
    Wfc = glorot(ks[4], (D_H, D_OUT))
    bfc = jnp.zeros((D_OUT,), jnp.float32)
    return {"x": x, "edge_index": edge_index, "W1": W1, "b1": b1, "W2": W2, "b2": b2, "Wfc": Wfc, "bfc": bfc}


def gcn_conv(x, src, dst, W, b):
    # x: [N, d_in]; src/dst include self loops; symmetric GCN normalization
    n = x.shape[0]
    deg = jnp.zeros((n,), jnp.float32).at[dst].add(1.0)
    dinv = jnp.where(deg > 0, deg ** -0.5, 0.0)
    norm = dinv[src] * dinv[dst]
    h = x @ W
    msg = h[src] * norm[:, None]
    out = jnp.zeros((n, h.shape[1]), jnp.float32).at[dst].add(msg)
    return out + b


def reference(x, edge_index, W1, b1, W2, b2, Wfc, bfc):
    n = x.shape[0]
    loop = jnp.arange(n, dtype=edge_index.dtype)
    src = jnp.concatenate([edge_index[0], loop])
    dst = jnp.concatenate([edge_index[1], loop])
    h = gcn_conv(x, src, dst, W1, b1)
    h = jax.nn.relu(h)
    h = gcn_conv(h, src, dst, W2, b2)
    h = jax.nn.relu(h)
    h = h @ Wfc + bfc
    return jax.nn.log_softmax(h, axis=1)

if __name__ == "__main__":
    import jax
    _d = setup_inputs()
    print(jax.jit(kernel)(*tuple(_d.values())))

</pallas_src>

<mosaic_0001>
#map = affine_map<(d0, d1) -> (0, 0)>
#map1 = affine_map<(d0, d1) -> (0, 0, 0)>
module attributes {stable_mosaic.version = 14 : i64} {
  func.func @scat_kernel(%arg0: i32, %arg1: i32, %arg2: memref<10000x128xf32, #tpu.memory_space<hbm>>, %arg3: memref<32x107x128xi32, #tpu.memory_space<hbm>>, %arg4: memref<32x107x128xi32, #tpu.memory_space<hbm>>, %arg5: memref<2x10000x128xf32, #tpu.memory_space<hbm>>, %arg6: memref<107x128xi32, #tpu.memory_space<vmem>>, %arg7: memref<107x128xi32, #tpu.memory_space<vmem>>, %arg8: memref<128x128xf32, #tpu.memory_space<vmem>>, %arg9: memref<16x128xf32, #tpu.memory_space<vmem>>, %arg10: memref<10112x128xf32, #tpu.memory_space<vmem_shared>>, %arg11: memref<!tpu.dma_semaphore, #tpu.memory_space<semaphore_mem>>) attributes {dimension_semantics = [#tpu.dimension_semantics<core_parallel>, #tpu.dimension_semantics<subcore_parallel>], iteration_bounds = array<i64: 2, 16>, scalar_prefetch = 0 : i64, scratch_operands = 6 : i64, tpu.core_type = #tpu.core_type<sc_vector_subcore>, window_params = [{transform_indices = #map}, {transform_indices = #map1}, {transform_indices = #map1}, {transform_indices = #map1}]} {
    %mul3A = arith.constant 16 : i32
    %mul3A_0 = arith.muli %arg0, %mul3A : i32
    %add3A = arith.addi %mul3A_0, %arg1 : i32
    %eq3A = arith.constant 0 : i32
    %eq3A_1 = arith.cmpi eq, %arg0, %eq3A : i32
    %jit3A = arith.constant 107 : i32
    %jit3A_2 = arith.constant 50 : i32
    %select_n3A = arith.select %eq3A_1, %jit3A, %jit3A_2 : i32
    %broadcast_in_dim3A = arith.constant 0.000000e+00 : f32
    %broadcast_in_dim3A_3 = vector.broadcast %broadcast_in_dim3A : f32 to vector<16xf32>
    %scan3A = arith.constant 0 : i32
    %scan3A_4 = arith.constant 0 : i32
    %scan3A_5 = arith.constant 16 : i32
    %scan3A_6 = arith.addi %scan3A_4, %scan3A_5 : i32
    %scan3A_7 = arith.constant 1 : i32
    %scan3A_8 = scf.for %scan3A_40 = %scan3A_4 to %scan3A_6 step %scan3A_7 iter_args(%scan3A_41 = %scan3A) -> (i32)  : i32 {
      %swap3A = arith.index_cast %scan3A_40 : i32 to index
      %swap3A_42 = arith.constant 0 : index
      %swap3A_43 = tpu.vector_load %arg9[%swap3A, %swap3A_42] {strides = array<i32>} : memref<16x128xf32, #tpu.memory_space<vmem>>, vector<1x16xf32>,
      %swap3A_44 = vector.shape_cast %swap3A_43 : vector<1x16xf32> to vector<16xf32>
      %swap3A_45 = vector.shape_cast %broadcast_in_dim3A_3 : vector<16xf32> to vector<1x16xf32>
      tpu.vector_store %arg9[%swap3A, %swap3A_42], %swap3A_45 {strides = array<i32>} : memref<16x128xf32, #tpu.memory_space<vmem>>, vector<1x16xf32>,
      %swap3A_46 = arith.index_cast %scan3A_40 : i32 to index
      %swap3A_47 = arith.constant 16 : index
      %swap3A_48 = tpu.vector_load %arg9[%swap3A_46, %swap3A_47] {strides = array<i32>} : memref<16x128xf32, #tpu.memory_space<vmem>>, vector<1x16xf32>,
      %swap3A_49 = vector.shape_cast %swap3A_48 : vector<1x16xf32> to vector<16xf32>
      %swap3A_50 = vector.shape_cast %broadcast_in_dim3A_3 : vector<16xf32> to vector<1x16xf32>
      tpu.vector_store %arg9[%swap3A_46, %swap3A_47], %swap3A_50 {strides = array<i32>} : memref<16x128xf32, #tpu.memory_space<vmem>>, vector<1x16xf32>,
      %swap3A_51 = arith.index_cast %scan3A_40 : i32 to index
      %swap3A_52 = arith.constant 32 : index
      %swap3A_53 = tpu.vector_load %arg9[%swap3A_51, %swap3A_52] {strides = array<i32>} : memref<16x128xf32, #tpu.memory_space<vmem>>, vector<1x16xf32>,
      %swap3A_54 = vector.shape_cast %swap3A_53 : vector<1x16xf32> to vector<16xf32>
      %swap3A_55 = vector.shape_cast %broadcast_in_dim3A_3 : vector<16xf32> to vector<1x16xf32>
      tpu.vector_store %arg9[%swap3A_51, %swap3A_52], %swap3A_55 {strides = array<i32>} : memref<16x128xf32, #tpu.memory_space<vmem>>, vector<1x16xf32>,
      %swap3A_56 = arith.index_cast %scan3A_40 : i32 to index
      %swap3A_57 = arith.constant 48 : index
      %swap3A_58 = tpu.vector_load %arg9[%swap3A_56, %swap3A_57] {strides = array<i32>} : memref<16x128xf32, #tpu.memory_space<vmem>>, vector<1x16xf32>,
      %swap3A_59 = vector.shape_cast %swap3A_58 : vector<1x16xf32> to vector<16xf32>
      %swap3A_60 = vector.shape_cast %broadcast_in_dim3A_3 : vector<16xf32> to vector<1x16xf32>
      tpu.vector_store %arg9[%swap3A_56, %swap3A_57], %swap3A_60 {strides = array<i32>} : memref<16x128xf32, #tpu.memory_space<vmem>>, vector<1x16xf32>,
      %swap3A_61 = arith.index_cast %scan3A_40 : i32 to index
      %swap3A_62 = arith.constant 64 : index
      %swap3A_63 = tpu.vector_load %arg9[%swap3A_61, %swap3A_62] {strides = array<i32>} : memref<16x128xf32, #tpu.memory_space<vmem>>, vector<1x16xf32>,
      %swap3A_64 = vector.shape_cast %swap3A_63 : vector<1x16xf32> to vector<16xf32>
      %swap3A_65 = vector.shape_cast %broadcast_in_dim3A_3 : vector<16xf32> to vector<1x16xf32>
      tpu.vector_store %arg9[%swap3A_61, %swap3A_62], %swap3A_65 {strides = array<i32>} : memref<16x128xf32, #tpu.memory_space<vmem>>, vector<1x16xf32>,
      %swap3A_66 = arith.index_cast %scan3A_40 : i32 to index
      %swap3A_67 = arith.constant 80 : index
      %swap3A_68 = tpu.vector_load %arg9[%swap3A_66, %swap3A_67] {strides = array<i32>} : memref<16x128xf32, #tpu.memory_space<vmem>>, vector<1x16xf32>,
      %swap3A_69 = vector.shape_cast %swap3A_68 : vector<1x16xf32> to vector<16xf32>
      %swap3A_70 = vector.shape_cast %broadcast_in_dim3A_3 : vector<16xf32> to vector<1x16xf32>
      tpu.vector_store %arg9[%swap3A_66, %swap3A_67], %swap3A_70 {strides = array<i32>} : memref<16x128xf32, #tpu.memory_space<vmem>>, vector<1x16xf32>,
      %swap3A_71 = arith.index_cast %scan3A_40 : i32 to index
      %swap3A_72 = arith.constant 96 : index
      %swap3A_73 = tpu.vector_load %arg9[%swap3A_71, %swap3A_72] {strides = array<i32>} : memref<16x128xf32, #tpu.memory_space<vmem>>, vector<1x16xf32>,
      %swap3A_74 = vector.shape_cast %swap3A_73 : vector<1x16xf32> to vector<16xf32>
      %swap3A_75 = vector.shape_cast %broadcast_in_dim3A_3 : vector<16xf32> to vector<1x16xf32>
      tpu.vector_store %arg9[%swap3A_71, %swap3A_72], %swap3A_75 {strides = array<i32>} : memref<16x128xf32, #tpu.memory_space<vmem>>, vector<1x16xf32>,
      %swap3A_76 = arith.index_cast %scan3A_40 : i32 to index
      %swap3A_77 = arith.constant 112 : index
      %swap3A_78 = tpu.vector_load %arg9[%swap3A_76, %swap3A_77] {strides = array<i32>} : memref<16x128xf32, #tpu.memory_space<vmem>>, vector<1x16xf32>,
      %swap3A_79 = vector.shape_cast %swap3A_78 : vector<1x16xf32> to vector<16xf32>
      %swap3A_80 = vector.shape_cast %broadcast_in_dim3A_3 : vector<16xf32> to vector<1x16xf32>
      tpu.vector_store %arg9[%swap3A_76, %swap3A_77], %swap3A_80 {strides = array<i32>} : memref<16x128xf32, #tpu.memory_space<vmem>>, vector<1x16xf32>,
      %scan3A_81 = arith.constant 0 : i32
      scf.yield %scan3A_81 : i32
    }
    %scan3A_9 = arith.constant 16 : i32
    %scan3A_10 = arith.constant 0 : i32
    %scan3A_11 = arith.constant 0 : i32
    %scan3A_12 = arith.constant 39 : i32
    %scan3A_13 = arith.addi %scan3A_11, %scan3A_12 : i32
    %scan3A_14 = arith.constant 1 : i32
    %scan3A_15 = scf.for %scan3A_40 = %scan3A_11 to %scan3A_13 step %scan3A_14 iter_args(%scan3A_41 = %scan3A_10) -> (i32)  : i32 {
      %mul3A_42 = arith.constant 632 : i32
      %mul3A_43 = arith.muli %arg1, %mul3A_42 : i32
      %mul3A_44 = arith.constant 16 : i32
      %mul3A_45 = arith.muli %scan3A_40, %mul3A_44 : i32
      %add3A_46 = arith.addi %mul3A_43, %mul3A_45 : i32
      "tpu.region"() ({
        %run_scoped3A = tpu.sem_alloc : memref<!tpu.dma_semaphore, #tpu.memory_space<semaphore_mem>>
        %dma_start3A = arith.constant 0 : i32
        %dma_start3A_48 = tpu.memref_slice %arg10[%add3A_46, %dma_start3A] : memref<10112x128xf32, #tpu.memory_space<vmem_shared>> -> memref<16x128xf32, #tpu.memory_space<vmem_shared>>
        %dma_start3A_49 = arith.constant 0 : i32
        %dma_start3A_50 = tpu.memref_slice %arg10[%add3A_46, %dma_start3A_49] : memref<10112x128xf32, #tpu.memory_space<vmem_shared>> -> memref<16x128xf32, #tpu.memory_space<vmem_shared>>
        tpu.enqueue_dma source(%arg9 : memref<16x128xf32, #tpu.memory_space<vmem>>) target(%dma_start3A_50 : memref<16x128xf32, #tpu.memory_space<vmem_shared>>) target_semaphore(%run_scoped3A : memref<!tpu.dma_semaphore, #tpu.memory_space<semaphore_mem>>)
        %dma_wait3A = arith.constant 0 : i32
        %dma_wait3A_51 = tpu.memref_slice %arg10[%add3A_46, %dma_wait3A] : memref<10112x128xf32, #tpu.memory_space<vmem_shared>> -> memref<16x128xf32, #tpu.memory_space<vmem_shared>>
        %dma_wait3A_52 = arith.constant 0 : i32
        %dma_wait3A_53 = tpu.memref_slice %arg10[%add3A_46, %dma_wait3A_52] : memref<10112x128xf32, #tpu.memory_space<vmem_shared>> -> memref<16x128xf32, #tpu.memory_space<vmem_shared>>
        tpu.wait_dma2 semaphore(%run_scoped3A : memref<!tpu.dma_semaphore, #tpu.memory_space<semaphore_mem>>) src(%arg9 : memref<16x128xf32, #tpu.memory_space<vmem>>) dst(%dma_wait3A_53 : memref<16x128xf32, #tpu.memory_space<vmem_shared>>)
        tpu.yield
      }) : () -> ()
      %scan3A_47 = arith.constant 0 : i32
      scf.yield %scan3A_47 : i32
    }
    %scan3A_16 = arith.constant 39 : i32
    %mul3A_17 = arith.constant 632 : i32
    %mul3A_18 = arith.muli %arg1, %mul3A_17 : i32
    %add3A_19 = arith.constant 624 : i32
    %add3A_20 = arith.addi %mul3A_18, %add3A_19 : i32
    "tpu.region"() ({
      %run_scoped3A = tpu.sem_alloc : memref<!tpu.dma_semaphore, #tpu.memory_space<semaphore_mem>>
      %dma_start3A = arith.constant 0 : i32
      %dma_start3A_40 = arith.constant 0 : i32
      %dma_start3A_41 = tpu.memref_slice %arg9[%dma_start3A, %dma_start3A_40] : memref<16x128xf32, #tpu.memory_space<vmem>> -> memref<8x128xf32, #tpu.memory_space<vmem>>
      %dma_start3A_42 = arith.constant 0 : i32
      %dma_start3A_43 = tpu.memref_slice %arg10[%add3A_20, %dma_start3A_42] : memref<10112x128xf32, #tpu.memory_space<vmem_shared>> -> memref<8x128xf32, #tpu.memory_space<vmem_shared>>
      %dma_start3A_44 = arith.constant 0 : i32
      %dma_start3A_45 = tpu.memref_slice %arg10[%add3A_20, %dma_start3A_44] : memref<10112x128xf32, #tpu.memory_space<vmem_shared>> -> memref<8x128xf32, #tpu.memory_space<vmem_shared>>
      %dma_start3A_46 = arith.constant 0 : i32
      %dma_start3A_47 = arith.constant 0 : i32
      %dma_start3A_48 = tpu.memref_slice %arg9[%dma_start3A_46, %dma_start3A_47] : memref<16x128xf32, #tpu.memory_space<vmem>> -> memref<8x128xf32, #tpu.memory_space<vmem>>
      tpu.enqueue_dma source(%dma_start3A_48 : memref<8x128xf32, #tpu.memory_space<vmem>>) target(%dma_start3A_45 : memref<8x128xf32, #tpu.memory_space<vmem_shared>>) target_semaphore(%run_scoped3A : memref<!tpu.dma_semaphore, #tpu.memory_space<semaphore_mem>>)
      %dma_wait3A = arith.constant 0 : i32
      %dma_wait3A_49 = arith.constant 0 : i32
      %dma_wait3A_50 = tpu.memref_slice %arg9[%dma_wait3A, %dma_wait3A_49] : memref<16x128xf32, #tpu.memory_space<vmem>> -> memref<8x128xf32, #tpu.memory_space<vmem>>
      %dma_wait3A_51 = arith.constant 0 : i32
      %dma_wait3A_52 = tpu.memref_slice %arg10[%add3A_20, %dma_wait3A_51] : memref<10112x128xf32, #tpu.memory_space<vmem_shared>> -> memref<8x128xf32, #tpu.memory_space<vmem_shared>>
      %dma_wait3A_53 = arith.constant 0 : i32
      %dma_wait3A_54 = tpu.memref_slice %arg10[%add3A_20, %dma_wait3A_53] : memref<10112x128xf32, #tpu.memory_space<vmem_shared>> -> memref<8x128xf32, #tpu.memory_space<vmem_shared>>
      %dma_wait3A_55 = arith.constant 0 : i32
      %dma_wait3A_56 = arith.constant 0 : i32
      %dma_wait3A_57 = tpu.memref_slice %arg9[%dma_wait3A_55, %dma_wait3A_56] : memref<16x128xf32, #tpu.memory_space<vmem>> -> memref<8x128xf32, #tpu.memory_space<vmem>>
      tpu.wait_dma2 semaphore(%run_scoped3A : memref<!tpu.dma_semaphore, #tpu.memory_space<semaphore_mem>>) src(%dma_wait3A_57 : memref<8x128xf32, #tpu.memory_space<vmem>>) dst(%dma_wait3A_54 : memref<8x128xf32, #tpu.memory_space<vmem_shared>>)
      tpu.yield
    }) : () -> ()
    %barrier3A = arith.constant 0 : index
    tpu.barrier barrier_id(%barrier3A)
    "tpu.region"() ({
      %run_scoped3A = tpu.sem_alloc : memref<!tpu.dma_semaphore, #tpu.memory_space<semaphore_mem>>
      %dma_start3A = arith.constant 0 : i32
      %dma_start3A_40 = arith.constant 0 : i32
      %dma_start3A_41 = tpu.memref_slice %arg3[%add3A, %dma_start3A, %dma_start3A_40] : memref<32x107x128xi32, #tpu.memory_space<hbm>> -> memref<1x107x128xi32, #tpu.memory_space<hbm>>
      %dma_start3A_42 = tpu.memref_squeeze %dma_start3A_41 : memref<1x107x128xi32, #tpu.memory_space<hbm>> -> memref<107x128xi32, #tpu.memory_space<hbm>>
      %dma_start3A_43 = arith.constant 0 : i32
      %dma_start3A_44 = arith.constant 0 : i32
      %dma_start3A_45 = tpu.memref_slice %arg3[%add3A, %dma_start3A_43, %dma_start3A_44] : memref<32x107x128xi32, #tpu.memory_space<hbm>> -> memref<1x107x128xi32, #tpu.memory_space<hbm>>
      %dma_start3A_46 = tpu.memref_squeeze %dma_start3A_45 : memref<1x107x128xi32, #tpu.memory_space<hbm>> -> memref<107x128xi32, #tpu.memory_space<hbm>>
      tpu.enqueue_dma source(%dma_start3A_46 : memref<107x128xi32, #tpu.memory_space<hbm>>) target(%arg6 : memref<107x128xi32, #tpu.memory_space<vmem>>) target_semaphore(%run_scoped3A : memref<!tpu.dma_semaphore, #tpu.memory_space<semaphore_mem>>)
      %dma_wait3A = arith.constant 0 : i32
      %dma_wait3A_47 = arith.constant 0 : i32
      %dma_wait3A_48 = tpu.memref_slice %arg3[%add3A, %dma_wait3A, %dma_wait3A_47] : memref<32x107x128xi32, #tpu.memory_space<hbm>> -> memref<1x107x128xi32, #tpu.memory_space<hbm>>
      %dma_wait3A_49 = tpu.memref_squeeze %dma_wait3A_48 : memref<1x107x128xi32, #tpu.memory_space<hbm>> -> memref<107x128xi32, #tpu.memory_space<hbm>>
      %dma_wait3A_50 = arith.constant 0 : i32
      %dma_wait3A_51 = arith.constant 0 : i32
      %dma_wait3A_52 = tpu.memref_slice %arg3[%add3A, %dma_wait3A_50, %dma_wait3A_51] : memref<32x107x128xi32, #tpu.memory_space<hbm>> -> memref<1x107x128xi32, #tpu.memory_space<hbm>>
      %dma_wait3A_53 = tpu.memref_squeeze %dma_wait3A_52 : memref<1x107x128xi32, #tpu.memory_space<hbm>> -> memref<107x128xi32, #tpu.memory_space<hbm>>
      tpu.wait_dma2 semaphore(%run_scoped3A : memref<!tpu.dma_semaphore, #tpu.memory_space<semaphore_mem>>) src(%dma_wait3A_53 : memref<107x128xi32, #tpu.memory_space<hbm>>) dst(%arg6 : memref<107x128xi32, #tpu.memory_space<vmem>>)
      tpu.yield
    }) : () -> ()
    "tpu.region"() ({
      %run_scoped3A = tpu.sem_alloc : memref<!tpu.dma_semaphore, #tpu.memory_space<semaphore_mem>>
      %dma_start3A = arith.constant 0 : i32
      %dma_start3A_40 = arith.constant 0 : i32
      %dma_start3A_41 = tpu.memref_slice %arg4[%add3A, %dma_start3A, %dma_start3A_40] : memref<32x107x128xi32, #tpu.memory_space<hbm>> -> memref<1x107x128xi32, #tpu.memory_space<hbm>>
      %dma_start3A_42 = tpu.memref_squeeze %dma_start3A_41 : memref<1x107x128xi32, #tpu.memory_space<hbm>> -> memref<107x128xi32, #tpu.memory_space<hbm>>
      %dma_start3A_43 = arith.constant 0 : i32
      %dma_start3A_44 = arith.constant 0 : i32
      %dma_start3A_45 = tpu.memref_slice %arg4[%add3A, %dma_start3A_43, %dma_start3A_44] : memref<32x107x128xi32, #tpu.memory_space<hbm>> -> memref<1x107x128xi32, #tpu.memory_space<hbm>>
      %dma_start3A_46 = tpu.memref_squeeze %dma_start3A_45 : memref<1x107x128xi32, #tpu.memory_space<hbm>> -> memref<107x128xi32, #tpu.memory_space<hbm>>
      tpu.enqueue_dma source(%dma_start3A_46 : memref<107x128xi32, #tpu.memory_space<hbm>>) target(%arg7 : memref<107x128xi32, #tpu.memory_space<vmem>>) target_semaphore(%run_scoped3A : memref<!tpu.dma_semaphore, #tpu.memory_space<semaphore_mem>>)
      %dma_wait3A = arith.constant 0 : i32
      %dma_wait3A_47 = arith.constant 0 : i32
      %dma_wait3A_48 = tpu.memref_slice %arg4[%add3A, %dma_wait3A, %dma_wait3A_47] : memref<32x107x128xi32, #tpu.memory_space<hbm>> -> memref<1x107x128xi32, #tpu.memory_space<hbm>>
      %dma_wait3A_49 = tpu.memref_squeeze %dma_wait3A_48 : memref<1x107x128xi32, #tpu.memory_space<hbm>> -> memref<107x128xi32, #tpu.memory_space<hbm>>
      %dma_wait3A_50 = arith.constant 0 : i32
      %dma_wait3A_51 = arith.constant 0 : i32
      %dma_wait3A_52 = tpu.memref_slice %arg4[%add3A, %dma_wait3A_50, %dma_wait3A_51] : memref<32x107x128xi32, #tpu.memory_space<hbm>> -> memref<1x107x128xi32, #tpu.memory_space<hbm>>
      %dma_wait3A_53 = tpu.memref_squeeze %dma_wait3A_52 : memref<1x107x128xi32, #tpu.memory_space<hbm>> -> memref<107x128xi32, #tpu.memory_space<hbm>>
      tpu.wait_dma2 semaphore(%run_scoped3A : memref<!tpu.dma_semaphore, #tpu.memory_space<semaphore_mem>>) src(%dma_wait3A_53 : memref<107x128xi32, #tpu.memory_space<hbm>>) dst(%arg7 : memref<107x128xi32, #tpu.memory_space<vmem>>)
      tpu.yield
    }) : () -> ()
    %while3A = arith.constant 0 : i32
    %while3A_21 = arith.constant 0 : i32
    %while3A_22 = arith.subi %select_n3A, %while3A : i32
    %while3A_23 = arith.addi %while3A, %while3A_22 : i32
    %while3A_24 = arith.constant 1 : i32
    %while3A_25 = arith.divsi %while3A_22, %while3A_24 : i32
    %while3A_26 = arith.muli %while3A_25, %while3A_24 : i32
    %while3A_27 = arith.addi %while3A, %while3A_26 : i32
    %while3A_28 = arith.constant 1 : i32
    %while3A_29 = scf.for %while3A_40 = %while3A to %while3A_27 step %while3A_28 iter_args(%while3A_41 = %while3A_21) -> (i32)  : i32 {
      %dma_start3A = arith.constant 0 : i32
      %dma_start3A_42 = tpu.memref_slice %arg6[%while3A_40, %dma_start3A] : memref<107x128xi32, #tpu.memory_space<vmem>> -> memref<1x128xi32, #tpu.memory_space<vmem>>
      %dma_start3A_43 = tpu.memref_squeeze %dma_start3A_42 : memref<1x128xi32, #tpu.memory_space<vmem>> -> memref<128xi32, #tpu.memory_space<vmem>>
      %dma_start3A_44 = arith.constant 0 : i32
      %dma_start3A_45 = arith.constant 0 : i32
      %dma_start3A_46 = tpu.memref_slice %arg2[%dma_start3A_44, %dma_start3A_45] : memref<10000x128xf32, #tpu.memory_space<hbm>> -> memref<10000x128xf32, #tpu.memory_space<hbm>>
      tpu.enqueue_indirect_dma source(%dma_start3A_46 : memref<10000x128xf32, #tpu.memory_space<hbm>>) target(%arg8 : memref<128x128xf32, #tpu.memory_space<vmem>>) offsets(%dma_start3A_43 : memref<128xi32, #tpu.memory_space<vmem>>) semaphore(%arg11 : memref<!tpu.dma_semaphore, #tpu.memory_space<semaphore_mem>>)
      %dma_wait3A = arith.constant 0 : i32
      %dma_wait3A_47 = tpu.memref_slice %arg6[%while3A_40, %dma_wait3A] : memref<107x128xi32, #tpu.memory_space<vmem>> -> memref<1x128xi32, #tpu.memory_space<vmem>>
      %dma_wait3A_48 = tpu.memref_squeeze %dma_wait3A_47 : memref<1x128xi32, #tpu.memory_space<vmem>> -> memref<128xi32, #tpu.memory_space<vmem>>
      %dma_wait3A_49 = arith.constant 0 : i32
      %dma_wait3A_50 = arith.constant 0 : i32
      %dma_wait3A_51 = tpu.memref_slice %arg2[%dma_wait3A_49, %dma_wait3A_50] : memref<10000x128xf32, #tpu.memory_space<hbm>> -> memref<10000x128xf32, #tpu.memory_space<hbm>>
      tpu.wait_indirect_dma semaphore(%arg11 : memref<!tpu.dma_semaphore, #tpu.memory_space<semaphore_mem>>) src(%dma_wait3A_51 : memref<10000x128xf32, #tpu.memory_space<hbm>>) dst(%arg8 : memref<128x128xf32, #tpu.memory_space<vmem>>)
      "tpu.region"() ({
        %run_scoped3A = tpu.sem_alloc : memref<!tpu.dma_semaphore, #tpu.memory_space<semaphore_mem>>
        %dma_start3A_53 = arith.constant 0 : i32
        %dma_start3A_54 = tpu.memref_slice %arg7[%while3A_40, %dma_start3A_53] : memref<107x128xi32, #tpu.memory_space<vmem>> -> memref<1x128xi32, #tpu.memory_space<vmem>>
        %dma_start3A_55 = tpu.memref_squeeze %dma_start3A_54 : memref<1x128xi32, #tpu.memory_space<vmem>> -> memref<128xi32, #tpu.memory_space<vmem>>
        %dma_start3A_56 = arith.constant 0 : i32
        %dma_start3A_57 = arith.constant 0 : i32
        %dma_start3A_58 = tpu.memref_slice %arg10[%dma_start3A_56, %dma_start3A_57] : memref<10112x128xf32, #tpu.memory_space<vmem_shared>> -> memref<10112x128xf32, #tpu.memory_space<vmem_shared>>
        tpu.enqueue_indirect_dma source(%arg8 : memref<128x128xf32, #tpu.memory_space<vmem>>) target(%dma_start3A_58 : memref<10112x128xf32, #tpu.memory_space<vmem_shared>>) offsets(%dma_start3A_55 : memref<128xi32, #tpu.memory_space<vmem>>) semaphore(%run_scoped3A : memref<!tpu.dma_semaphore, #tpu.memory_space<semaphore_mem>>) {add = true}
        %dma_wait3A_59 = arith.constant 0 : i32
        %dma_wait3A_60 = tpu.memref_slice %arg7[%while3A_40, %dma_wait3A_59] : memref<107x128xi32, #tpu.memory_space<vmem>> -> memref<1x128xi32, #tpu.memory_space<vmem>>
        %dma_wait3A_61 = tpu.memref_squeeze %dma_wait3A_60 : memref<1x128xi32, #tpu.memory_space<vmem>> -> memref<128xi32, #tpu.memory_space<vmem>>
        %dma_wait3A_62 = arith.constant 0 : i32
        %dma_wait3A_63 = arith.constant 0 : i32
        %dma_wait3A_64 = tpu.memref_slice %arg10[%dma_wait3A_62, %dma_wait3A_63] : memref<10112x128xf32, #tpu.memory_space<vmem_shared>> -> memref<10112x128xf32, #tpu.memory_space<vmem_shared>>
        tpu.wait_indirect_dma semaphore(%run_scoped3A : memref<!tpu.dma_semaphore, #tpu.memory_space<semaphore_mem>>) src(%arg8 : memref<128x128xf32, #tpu.memory_space<vmem>>) dst(%dma_wait3A_64 : memref<10112x128xf32, #tpu.memory_space<vmem_shared>>)
        tpu.yield
      }) : () -> ()
      %while3A_52 = arith.constant 0 : i32
      scf.yield %while3A_52 : i32
    }
    %while3A_30 = arith.constant 1 : i32
    %while3A_31 = scf.for %while3A_40 = %while3A_27 to %while3A_23 step %while3A_30 iter_args(%while3A_41 = %while3A_29) -> (i32)  : i32 {
      %dma_start3A = arith.constant 0 : i32
      %dma_start3A_42 = tpu.memref_slice %arg6[%while3A_40, %dma_start3A] : memref<107x128xi32, #tpu.memory_space<vmem>> -> memref<1x128xi32, #tpu.memory_space<vmem>>
      %dma_start3A_43 = tpu.memref_squeeze %dma_start3A_42 : memref<1x128xi32, #tpu.memory_space<vmem>> -> memref<128xi32, #tpu.memory_space<vmem>>
      %dma_start3A_44 = arith.constant 0 : i32
      %dma_start3A_45 = arith.constant 0 : i32
      %dma_start3A_46 = tpu.memref_slice %arg2[%dma_start3A_44, %dma_start3A_45] : memref<10000x128xf32, #tpu.memory_space<hbm>> -> memref<10000x128xf32, #tpu.memory_space<hbm>>
      tpu.enqueue_indirect_dma source(%dma_start3A_46 : memref<10000x128xf32, #tpu.memory_space<hbm>>) target(%arg8 : memref<128x128xf32, #tpu.memory_space<vmem>>) offsets(%dma_start3A_43 : memref<128xi32, #tpu.memory_space<vmem>>) semaphore(%arg11 : memref<!tpu.dma_semaphore, #tpu.memory_space<semaphore_mem>>)
      %dma_wait3A = arith.constant 0 : i32
      %dma_wait3A_47 = tpu.memref_slice %arg6[%while3A_40, %dma_wait3A] : memref<107x128xi32, #tpu.memory_space<vmem>> -> memref<1x128xi32, #tpu.memory_space<vmem>>
      %dma_wait3A_48 = tpu.memref_squeeze %dma_wait3A_47 : memref<1x128xi32, #tpu.memory_space<vmem>> -> memref<128xi32, #tpu.memory_space<vmem>>
      %dma_wait3A_49 = arith.constant 0 : i32
      %dma_wait3A_50 = arith.constant 0 : i32
      %dma_wait3A_51 = tpu.memref_slice %arg2[%dma_wait3A_49, %dma_wait3A_50] : memref<10000x128xf32, #tpu.memory_space<hbm>> -> memref<10000x128xf32, #tpu.memory_space<hbm>>
      tpu.wait_indirect_dma semaphore(%arg11 : memref<!tpu.dma_semaphore, #tpu.memory_space<semaphore_mem>>) src(%dma_wait3A_51 : memref<10000x128xf32, #tpu.memory_space<hbm>>) dst(%arg8 : memref<128x128xf32, #tpu.memory_space<vmem>>)
      "tpu.region"() ({
        %run_scoped3A = tpu.sem_alloc : memref<!tpu.dma_semaphore, #tpu.memory_space<semaphore_mem>>
        %dma_start3A_53 = arith.constant 0 : i32
        %dma_start3A_54 = tpu.memref_slice %arg7[%while3A_40, %dma_start3A_53] : memref<107x128xi32, #tpu.memory_space<vmem>> -> memref<1x128xi32, #tpu.memory_space<vmem>>
        %dma_start3A_55 = tpu.memref_squeeze %dma_start3A_54 : memref<1x128xi32, #tpu.memory_space<vmem>> -> memref<128xi32, #tpu.memory_space<vmem>>
        %dma_start3A_56 = arith.constant 0 : i32
        %dma_start3A_57 = arith.constant 0 : i32
        %dma_start3A_58 = tpu.memref_slice %arg10[%dma_start3A_56, %dma_start3A_57] : memref<10112x128xf32, #tpu.memory_space<vmem_shared>> -> memref<10112x128xf32, #tpu.memory_space<vmem_shared>>
        tpu.enqueue_indirect_dma source(%arg8 : memref<128x128xf32, #tpu.memory_space<vmem>>) target(%dma_start3A_58 : memref<10112x128xf32, #tpu.memory_space<vmem_shared>>) offsets(%dma_start3A_55 : memref<128xi32, #tpu.memory_space<vmem>>) semaphore(%run_scoped3A : memref<!tpu.dma_semaphore, #tpu.memory_space<semaphore_mem>>) {add = true}
        %dma_wait3A_59 = arith.constant 0 : i32
        %dma_wait3A_60 = tpu.memref_slice %arg7[%while3A_40, %dma_wait3A_59] : memref<107x128xi32, #tpu.memory_space<vmem>> -> memref<1x128xi32, #tpu.memory_space<vmem>>
        %dma_wait3A_61 = tpu.memref_squeeze %dma_wait3A_60 : memref<1x128xi32, #tpu.memory_space<vmem>> -> memref<128xi32, #tpu.memory_space<vmem>>
        %dma_wait3A_62 = arith.constant 0 : i32
        %dma_wait3A_63 = arith.constant 0 : i32
        %dma_wait3A_64 = tpu.memref_slice %arg10[%dma_wait3A_62, %dma_wait3A_63] : memref<10112x128xf32, #tpu.memory_space<vmem_shared>> -> memref<10112x128xf32, #tpu.memory_space<vmem_shared>>
        tpu.wait_indirect_dma semaphore(%run_scoped3A : memref<!tpu.dma_semaphore, #tpu.memory_space<semaphore_mem>>) src(%arg8 : memref<128x128xf32, #tpu.memory_space<vmem>>) dst(%dma_wait3A_64 : memref<10112x128xf32, #tpu.memory_space<vmem_shared>>)
        tpu.yield
      }) : () -> ()
      %while3A_52 = arith.constant 0 : i32
      scf.yield %while3A_52 : i32
    }
    %barrier3A_32 = arith.constant 0 : index
    tpu.barrier barrier_id(%barrier3A_32)
    %ne3A = arith.constant 15 : i32
    %ne3A_33 = arith.cmpi ne, %arg1, %ne3A : i32
    %convert_element_type3A = arith.extui %ne3A_33 : i1 to i32
    %cond3A = arith.constant 0 : i32
    %cond3A_34 = arith.cmpi ne, %convert_element_type3A, %cond3A : i32
    scf.if %cond3A_34 {
      %mul3A_40 = arith.constant 632 : i32
      %mul3A_41 = arith.muli %arg1, %mul3A_40 : i32
      %mul3A_42 = arith.constant 632 : i32
      %mul3A_43 = arith.muli %arg1, %mul3A_42 : i32
      "tpu.region"() ({
        %run_scoped3A = tpu.sem_alloc : memref<!tpu.dma_semaphore, #tpu.memory_space<semaphore_mem>>
        %dma_start3A = arith.constant 0 : i32
        %dma_start3A_44 = tpu.memref_slice %arg5[%arg0, %mul3A_43, %dma_start3A] : memref<2x10000x128xf32, #tpu.memory_space<hbm>> -> memref<1x632x128xf32, #tpu.memory_space<hbm>>
        %dma_start3A_45 = tpu.memref_squeeze %dma_start3A_44 : memref<1x632x128xf32, #tpu.memory_space<hbm>> -> memref<632x128xf32, #tpu.memory_space<hbm>>
        %dma_start3A_46 = arith.constant 0 : i32
        %dma_start3A_47 = tpu.memref_slice %arg10[%mul3A_41, %dma_start3A_46] : memref<10112x128xf32, #tpu.memory_space<vmem_shared>> -> memref<632x128xf32, #tpu.memory_space<vmem_shared>>
        tpu.enqueue_dma source(%dma_start3A_47 : memref<632x128xf32, #tpu.memory_space<vmem_shared>>) target(%dma_start3A_45 : memref<632x128xf32, #tpu.memory_space<hbm>>) target_semaphore(%run_scoped3A : memref<!tpu.dma_semaphore, #tpu.memory_space<semaphore_mem>>)
        %dma_wait3A = arith.constant 0 : i32
        %dma_wait3A_48 = tpu.memref_slice %arg5[%arg0, %mul3A_43, %dma_wait3A] : memref<2x10000x128xf32, #tpu.memory_space<hbm>> -> memref<1x632x128xf32, #tpu.memory_space<hbm>>
        %dma_wait3A_49 = tpu.memref_squeeze %dma_wait3A_48 : memref<1x632x128xf32, #tpu.memory_space<hbm>> -> memref<632x128xf32, #tpu.memory_space<hbm>>
        %dma_wait3A_50 = arith.constant 0 : i32
        %dma_wait3A_51 = tpu.memref_slice %arg10[%mul3A_41, %dma_wait3A_50] : memref<10112x128xf32, #tpu.memory_space<vmem_shared>> -> memref<632x128xf32, #tpu.memory_space<vmem_shared>>
        tpu.wait_dma2 semaphore(%run_scoped3A : memref<!tpu.dma_semaphore, #tpu.memory_space<semaphore_mem>>) src(%dma_wait3A_51 : memref<632x128xf32, #tpu.memory_space<vmem_shared>>) dst(%dma_wait3A_49 : memref<632x128xf32, #tpu.memory_space<hbm>>)
        tpu.yield
      }) : () -> ()
    } else {
    }
    %eq3A_35 = arith.constant 15 : i32
    %eq3A_36 = arith.cmpi eq, %arg1, %eq3A_35 : i32
    %convert_element_type3A_37 = arith.extui %eq3A_36 : i1 to i32
    %cond3A_38 = arith.constant 0 : i32
    %cond3A_39 = arith.cmpi ne, %convert_element_type3A_37, %cond3A_38 : i32
    scf.if %cond3A_39 {
      "tpu.region"() ({
        %run_scoped3A = tpu.sem_alloc : memref<!tpu.dma_semaphore, #tpu.memory_space<semaphore_mem>>
        %dma_start3A = arith.constant 9480 : i32
        %dma_start3A_40 = arith.constant 0 : i32
        %dma_start3A_41 = tpu.memref_slice %arg5[%arg0, %dma_start3A, %dma_start3A_40] : memref<2x10000x128xf32, #tpu.memory_space<hbm>> -> memref<1x520x128xf32, #tpu.memory_space<hbm>>
        %dma_start3A_42 = tpu.memref_squeeze %dma_start3A_41 : memref<1x520x128xf32, #tpu.memory_space<hbm>> -> memref<520x128xf32, #tpu.memory_space<hbm>>
        %dma_start3A_43 = arith.constant 9480 : i32
        %dma_start3A_44 = arith.constant 0 : i32
        %dma_start3A_45 = tpu.memref_slice %arg10[%dma_start3A_43, %dma_start3A_44] : memref<10112x128xf32, #tpu.memory_space<vmem_shared>> -> memref<520x128xf32, #tpu.memory_space<vmem_shared>>
        tpu.enqueue_dma source(%dma_start3A_45 : memref<520x128xf32, #tpu.memory_space<vmem_shared>>) target(%dma_start3A_42 : memref<520x128xf32, #tpu.memory_space<hbm>>) target_semaphore(%run_scoped3A : memref<!tpu.dma_semaphore, #tpu.memory_space<semaphore_mem>>)
        %dma_wait3A = arith.constant 9480 : i32
        %dma_wait3A_46 = arith.constant 0 : i32
        %dma_wait3A_47 = tpu.memref_slice %arg5[%arg0, %dma_wait3A, %dma_wait3A_46] : memref<2x10000x128xf32, #tpu.memory_space<hbm>> -> memref<1x520x128xf32, #tpu.memory_space<hbm>>
        %dma_wait3A_48 = tpu.memref_squeeze %dma_wait3A_47 : memref<1x520x128xf32, #tpu.memory_space<hbm>> -> memref<520x128xf32, #tpu.memory_space<hbm>>
        %dma_wait3A_49 = arith.constant 9480 : i32
        %dma_wait3A_50 = arith.constant 0 : i32
        %dma_wait3A_51 = tpu.memref_slice %arg10[%dma_wait3A_49, %dma_wait3A_50] : memref<10112x128xf32, #tpu.memory_space<vmem_shared>> -> memref<520x128xf32, #tpu.memory_space<vmem_shared>>
        tpu.wait_dma2 semaphore(%run_scoped3A : memref<!tpu.dma_semaphore, #tpu.memory_space<semaphore_mem>>) src(%dma_wait3A_51 : memref<520x128xf32, #tpu.memory_space<vmem_shared>>) dst(%dma_wait3A_48 : memref<520x128xf32, #tpu.memory_space<hbm>>)
        tpu.yield
      }) : () -> ()
    } else {
    }
    return
  }
}

#map = affine_map<(d0, d1) -> (0, 0, 0)>
#map1 = affine_map<(d0, d1) -> (0, 0)>
module attributes {stable_mosaic.version = 14 : i64} {
  func.func @deg_kernel(%arg0: i32, %arg1: i32, %arg2: memref<32x79x128xi32, #tpu.memory_space<hbm>>, %arg3: memref<2x10240xf32, #tpu.memory_space<hbm>>, %arg4: memref<79x128xi32, #tpu.memory_space<vmem>>, %arg5: memref<128xf32, #tpu.memory_space<vmem>>, %arg6: memref<640xf32, #tpu.memory_space<vmem>>, %arg7: memref<10240xf32, #tpu.memory_space<vmem_shared>>) attributes {dimension_semantics = [#tpu.dimension_semantics<core_parallel>, #tpu.dimension_semantics<subcore_parallel>], iteration_bounds = array<i64: 2, 16>, scalar_prefetch = 0 : i64, scratch_operands = 4 : i64, tpu.core_type = #tpu.core_type<sc_vector_subcore>, window_params = [{transform_indices = #map}, {transform_indices = #map1}]} {
    %mul3A = arith.constant 16 : i32
    %mul3A_0 = arith.muli %arg0, %mul3A : i32
    %add3A = arith.addi %mul3A_0, %arg1 : i32
    %broadcast_in_dim3A = arith.constant 0.000000e+00 : f32
    %broadcast_in_dim3A_1 = vector.broadcast %broadcast_in_dim3A : f32 to vector<16xf32>
    %scan3A = arith.constant 0 : i32
    %scan3A_2 = arith.constant 0 : i32
    %scan3A_3 = arith.constant 40 : i32
    %scan3A_4 = arith.addi %scan3A_2, %scan3A_3 : i32
    %scan3A_5 = arith.constant 1 : i32
    %scan3A_6 = scf.for %scan3A_55 = %scan3A_2 to %scan3A_4 step %scan3A_5 iter_args(%scan3A_56 = %scan3A) -> (i32)  : i32 {
      %mul3A_57 = arith.constant 16 : i32
      %mul3A_58 = arith.muli %scan3A_55, %mul3A_57 : i32
      %swap3A_59 = arith.index_cast %mul3A_58 : i32 to index
      %swap3A_60 = tpu.vector_load %arg6[%swap3A_59] {strides = array<i32>} : memref<640xf32, #tpu.memory_space<vmem>>, vector<16xf32>,
      %swap3A_61 = vector.shape_cast %swap3A_60 : vector<16xf32> to vector<16xf32>
      %swap3A_62 = vector.shape_cast %broadcast_in_dim3A_1 : vector<16xf32> to vector<16xf32>
      tpu.vector_store %arg6[%swap3A_59], %swap3A_62 {strides = array<i32>} : memref<640xf32, #tpu.memory_space<vmem>>, vector<16xf32>,
      %scan3A_63 = arith.constant 0 : i32
      scf.yield %scan3A_63 : i32
    }
    %scan3A_7 = arith.constant 40 : i32
    %broadcast_in_dim3A_8 = arith.constant 1.000000e+00 : f32
    %broadcast_in_dim3A_9 = vector.broadcast %broadcast_in_dim3A_8 : f32 to vector<16xf32>
    %swap3A = arith.constant 0 : index
    %swap3A_10 = tpu.vector_load %arg5[%swap3A] {strides = array<i32>} : memref<128xf32, #tpu.memory_space<vmem>>, vector<16xf32>,
    %swap3A_11 = vector.shape_cast %swap3A_10 : vector<16xf32> to vector<16xf32>
    %swap3A_12 = vector.shape_cast %broadcast_in_dim3A_9 : vector<16xf32> to vector<16xf32>
    tpu.vector_store %arg5[%swap3A], %swap3A_12 {strides = array<i32>} : memref<128xf32, #tpu.memory_space<vmem>>, vector<16xf32>,
    %swap3A_13 = arith.constant 16 : index
    %swap3A_14 = tpu.vector_load %arg5[%swap3A_13] {strides = array<i32>} : memref<128xf32, #tpu.memory_space<vmem>>, vector<16xf32>,
    %swap3A_15 = vector.shape_cast %swap3A_14 : vector<16xf32> to vector<16xf32>
    %swap3A_16 = vector.shape_cast %broadcast_in_dim3A_9 : vector<16xf32> to vector<16xf32>
    tpu.vector_store %arg5[%swap3A_13], %swap3A_16 {strides = array<i32>} : memref<128xf32, #tpu.memory_space<vmem>>, vector<16xf32>,
    %swap3A_17 = arith.constant 32 : index
    %swap3A_18 = tpu.vector_load %arg5[%swap3A_17] {strides = array<i32>} : memref<128xf32, #tpu.memory_space<vmem>>, vector<16xf32>,
    %swap3A_19 = vector.shape_cast %swap3A_18 : vector<16xf32> to vector<16xf32>
    %swap3A_20 = vector.shape_cast %broadcast_in_dim3A_9 : vector<16xf32> to vector<16xf32>
    tpu.vector_store %arg5[%swap3A_17], %swap3A_20 {strides = array<i32>} : memref<128xf32, #tpu.memory_space<vmem>>, vector<16xf32>,
    %swap3A_21 = arith.constant 48 : index
    %swap3A_22 = tpu.vector_load %arg5[%swap3A_21] {strides = array<i32>} : memref<128xf32, #tpu.memory_space<vmem>>, vector<16xf32>,
    %swap3A_23 = vector.shape_cast %swap3A_22 : vector<16xf32> to vector<16xf32>
    %swap3A_24 = vector.shape_cast %broadcast_in_dim3A_9 : vector<16xf32> to vector<16xf32>
    tpu.vector_store %arg5[%swap3A_21], %swap3A_24 {strides = array<i32>} : memref<128xf32, #tpu.memory_space<vmem>>, vector<16xf32>,
    %swap3A_25 = arith.constant 64 : index
    %swap3A_26 = tpu.vector_load %arg5[%swap3A_25] {strides = array<i32>} : memref<128xf32, #tpu.memory_space<vmem>>, vector<16xf32>,
    %swap3A_27 = vector.shape_cast %swap3A_26 : vector<16xf32> to vector<16xf32>
    %swap3A_28 = vector.shape_cast %broadcast_in_dim3A_9 : vector<16xf32> to vector<16xf32>
    tpu.vector_store %arg5[%swap3A_25], %swap3A_28 {strides = array<i32>} : memref<128xf32, #tpu.memory_space<vmem>>, vector<16xf32>,
    %swap3A_29 = arith.constant 80 : index
    %swap3A_30 = tpu.vector_load %arg5[%swap3A_29] {strides = array<i32>} : memref<128xf32, #tpu.memory_space<vmem>>, vector<16xf32>,
    %swap3A_31 = vector.shape_cast %swap3A_30 : vector<16xf32> to vector<16xf32>
    %swap3A_32 = vector.shape_cast %broadcast_in_dim3A_9 : vector<16xf32> to vector<16xf32>
    tpu.vector_store %arg5[%swap3A_29], %swap3A_32 {strides = array<i32>} : memref<128xf32, #tpu.memory_space<vmem>>, vector<16xf32>,
    %swap3A_33 = arith.constant 96 : index
    %swap3A_34 = tpu.vector_load %arg5[%swap3A_33] {strides = array<i32>} : memref<128xf32, #tpu.memory_space<vmem>>, vector<16xf32>,
    %swap3A_35 = vector.shape_cast %swap3A_34 : vector<16xf32> to vector<16xf32>
    %swap3A_36 = vector.shape_cast %broadcast_in_dim3A_9 : vector<16xf32> to vector<16xf32>
    tpu.vector_store %arg5[%swap3A_33], %swap3A_36 {strides = array<i32>} : memref<128xf32, #tpu.memory_space<vmem>>, vector<16xf32>,
    %swap3A_37 = arith.constant 112 : index
    %swap3A_38 = tpu.vector_load %arg5[%swap3A_37] {strides = array<i32>} : memref<128xf32, #tpu.memory_space<vmem>>, vector<16xf32>,
    %swap3A_39 = vector.shape_cast %swap3A_38 : vector<16xf32> to vector<16xf32>
    %swap3A_40 = vector.shape_cast %broadcast_in_dim3A_9 : vector<16xf32> to vector<16xf32>
    tpu.vector_store %arg5[%swap3A_37], %swap3A_40 {strides = array<i32>} : memref<128xf32, #tpu.memory_space<vmem>>, vector<16xf32>,
    %mul3A_41 = arith.constant 640 : i32
    %mul3A_42 = arith.muli %arg1, %mul3A_41 : i32
    "tpu.region"() ({
      %run_scoped3A = tpu.sem_alloc : memref<!tpu.dma_semaphore, #tpu.memory_space<semaphore_mem>>
      %dma_start3A = tpu.memref_slice %arg7[%mul3A_42] : memref<10240xf32, #tpu.memory_space<vmem_shared>> -> memref<640xf32, #tpu.memory_space<vmem_shared>>
      %dma_start3A_55 = tpu.memref_slice %arg7[%mul3A_42] : memref<10240xf32, #tpu.memory_space<vmem_shared>> -> memref<640xf32, #tpu.memory_space<vmem_shared>>
      tpu.enqueue_dma source(%arg6 : memref<640xf32, #tpu.memory_space<vmem>>) target(%dma_start3A_55 : memref<640xf32, #tpu.memory_space<vmem_shared>>) target_semaphore(%run_scoped3A : memref<!tpu.dma_semaphore, #tpu.memory_space<semaphore_mem>>)
      %dma_wait3A = tpu.memref_slice %arg7[%mul3A_42] : memref<10240xf32, #tpu.memory_space<vmem_shared>> -> memref<640xf32, #tpu.memory_space<vmem_shared>>
      %dma_wait3A_56 = tpu.memref_slice %arg7[%mul3A_42] : memref<10240xf32, #tpu.memory_space<vmem_shared>> -> memref<640xf32, #tpu.memory_space<vmem_shared>>
      tpu.wait_dma2 semaphore(%run_scoped3A : memref<!tpu.dma_semaphore, #tpu.memory_space<semaphore_mem>>) src(%arg6 : memref<640xf32, #tpu.memory_space<vmem>>) dst(%dma_wait3A_56 : memref<640xf32, #tpu.memory_space<vmem_shared>>)
      tpu.yield
    }) : () -> ()
    %barrier3A = arith.constant 0 : index
    tpu.barrier barrier_id(%barrier3A)
    "tpu.region"() ({
      %run_scoped3A = tpu.sem_alloc : memref<!tpu.dma_semaphore, #tpu.memory_space<semaphore_mem>>
      %dma_start3A = arith.constant 0 : i32
      %dma_start3A_55 = arith.constant 0 : i32
      %dma_start3A_56 = tpu.memref_slice %arg2[%add3A, %dma_start3A, %dma_start3A_55] : memref<32x79x128xi32, #tpu.memory_space<hbm>> -> memref<1x79x128xi32, #tpu.memory_space<hbm>>
      %dma_start3A_57 = tpu.memref_squeeze %dma_start3A_56 : memref<1x79x128xi32, #tpu.memory_space<hbm>> -> memref<79x128xi32, #tpu.memory_space<hbm>>
      %dma_start3A_58 = arith.constant 0 : i32
      %dma_start3A_59 = arith.constant 0 : i32
      %dma_start3A_60 = tpu.memref_slice %arg2[%add3A, %dma_start3A_58, %dma_start3A_59] : memref<32x79x128xi32, #tpu.memory_space<hbm>> -> memref<1x79x128xi32, #tpu.memory_space<hbm>>
      %dma_start3A_61 = tpu.memref_squeeze %dma_start3A_60 : memref<1x79x128xi32, #tpu.memory_space<hbm>> -> memref<79x128xi32, #tpu.memory_space<hbm>>
      tpu.enqueue_dma source(%dma_start3A_61 : memref<79x128xi32, #tpu.memory_space<hbm>>) target(%arg4 : memref<79x128xi32, #tpu.memory_space<vmem>>) target_semaphore(%run_scoped3A : memref<!tpu.dma_semaphore, #tpu.memory_space<semaphore_mem>>)
      %dma_wait3A = arith.constant 0 : i32
      %dma_wait3A_62 = arith.constant 0 : i32
      %dma_wait3A_63 = tpu.memref_slice %arg2[%add3A, %dma_wait3A, %dma_wait3A_62] : memref<32x79x128xi32, #tpu.memory_space<hbm>> -> memref<1x79x128xi32, #tpu.memory_space<hbm>>
      %dma_wait3A_64 = tpu.memref_squeeze %dma_wait3A_63 : memref<1x79x128xi32, #tpu.memory_space<hbm>> -> memref<79x128xi32, #tpu.memory_space<hbm>>
      %dma_wait3A_65 = arith.constant 0 : i32
      %dma_wait3A_66 = arith.constant 0 : i32
      %dma_wait3A_67 = tpu.memref_slice %arg2[%add3A, %dma_wait3A_65, %dma_wait3A_66] : memref<32x79x128xi32, #tpu.memory_space<hbm>> -> memref<1x79x128xi32, #tpu.memory_space<hbm>>
      %dma_wait3A_68 = tpu.memref_squeeze %dma_wait3A_67 : memref<1x79x128xi32, #tpu.memory_space<hbm>> -> memref<79x128xi32, #tpu.memory_space<hbm>>
      tpu.wait_dma2 semaphore(%run_scoped3A : memref<!tpu.dma_semaphore, #tpu.memory_space<semaphore_mem>>) src(%dma_wait3A_68 : memref<79x128xi32, #tpu.memory_space<hbm>>) dst(%arg4 : memref<79x128xi32, #tpu.memory_space<vmem>>)
      tpu.yield
    }) : () -> ()
    %scan3A_43 = arith.constant 0 : i32
    %scan3A_44 = arith.constant 0 : i32
    %scan3A_45 = arith.constant 79 : i32
    %scan3A_46 = arith.addi %scan3A_44, %scan3A_45 : i32
    %scan3A_47 = arith.constant 1 : i32
    %scan3A_48 = scf.for %scan3A_55 = %scan3A_44 to %scan3A_46 step %scan3A_47 iter_args(%scan3A_56 = %scan3A_43) -> (i32)  : i32 {
      "tpu.region"() ({
        %run_scoped3A = tpu.sem_alloc : memref<!tpu.dma_semaphore, #tpu.memory_space<semaphore_mem>>
        %dma_start3A = arith.constant 0 : i32
        %dma_start3A_58 = tpu.memref_slice %arg4[%scan3A_55, %dma_start3A] : memref<79x128xi32, #tpu.memory_space<vmem>> -> memref<1x128xi32, #tpu.memory_space<vmem>>
        %dma_start3A_59 = tpu.memref_squeeze %dma_start3A_58 : memref<1x128xi32, #tpu.memory_space<vmem>> -> memref<128xi32, #tpu.memory_space<vmem>>
        %dma_start3A_60 = arith.constant 0 : i32
        %dma_start3A_61 = tpu.memref_slice %arg7[%dma_start3A_60] : memref<10240xf32, #tpu.memory_space<vmem_shared>> -> memref<10240xf32, #tpu.memory_space<vmem_shared>>
        tpu.enqueue_indirect_dma source(%arg5 : memref<128xf32, #tpu.memory_space<vmem>>) target(%dma_start3A_61 : memref<10240xf32, #tpu.memory_space<vmem_shared>>) offsets(%dma_start3A_59 : memref<128xi32, #tpu.memory_space<vmem>>) semaphore(%run_scoped3A : memref<!tpu.dma_semaphore, #tpu.memory_space<semaphore_mem>>) {add = true}
        %dma_wait3A = arith.constant 0 : i32
        %dma_wait3A_62 = tpu.memref_slice %arg4[%scan3A_55, %dma_wait3A] : memref<79x128xi32, #tpu.memory_space<vmem>> -> memref<1x128xi32, #tpu.memory_space<vmem>>
        %dma_wait3A_63 = tpu.memref_squeeze %dma_wait3A_62 : memref<1x128xi32, #tpu.memory_space<vmem>> -> memref<128xi32, #tpu.memory_space<vmem>>
        %dma_wait3A_64 = arith.constant 0 : i32
        %dma_wait3A_65 = tpu.memref_slice %arg7[%dma_wait3A_64] : memref<10240xf32, #tpu.memory_space<vmem_shared>> -> memref<10240xf32, #tpu.memory_space<vmem_shared>>
        tpu.wait_indirect_dma semaphore(%run_scoped3A : memref<!tpu.dma_semaphore, #tpu.memory_space<semaphore_mem>>) src(%arg5 : memref<128xf32, #tpu.memory_space<vmem>>) dst(%dma_wait3A_65 : memref<10240xf32, #tpu.memory_space<vmem_shared>>)
        tpu.yield
      }) : () -> ()
      %scan3A_57 = arith.constant 0 : i32
      scf.yield %scan3A_57 : i32
    }
    %scan3A_49 = arith.constant 79 : i32
    %barrier3A_50 = arith.constant 0 : index
    tpu.barrier barrier_id(%barrier3A_50)
    %mul3A_51 = arith.constant 640 : i32
    %mul3A_52 = arith.muli %arg1, %mul3A_51 : i32
    %mul3A_53 = arith.constant 640 : i32
    %mul3A_54 = arith.muli %arg1, %mul3A_53 : i32
    "tpu.region"() ({
      %run_scoped3A = tpu.sem_alloc : memref<!tpu.dma_semaphore, #tpu.memory_space<semaphore_mem>>
      %dma_start3A = tpu.memref_slice %arg3[%arg0, %mul3A_54] : memref<2x10240xf32, #tpu.memory_space<hbm>> -> memref<1x640xf32, #tpu.memory_space<hbm>>
      %dma_start3A_55 = tpu.memref_squeeze %dma_start3A : memref<1x640xf32, #tpu.memory_space<hbm>> -> memref<640xf32, #tpu.memory_space<hbm>>
      %dma_start3A_56 = tpu.memref_slice %arg7[%mul3A_52] : memref<10240xf32, #tpu.memory_space<vmem_shared>> -> memref<640xf32, #tpu.memory_space<vmem_shared>>
      tpu.enqueue_dma source(%dma_start3A_56 : memref<640xf32, #tpu.memory_space<vmem_shared>>) target(%dma_start3A_55 : memref<640xf32, #tpu.memory_space<hbm>>) target_semaphore(%run_scoped3A : memref<!tpu.dma_semaphore, #tpu.memory_space<semaphore_mem>>)
      %dma_wait3A = tpu.memref_slice %arg3[%arg0, %mul3A_54] : memref<2x10240xf32, #tpu.memory_space<hbm>> -> memref<1x640xf32, #tpu.memory_space<hbm>>
      %dma_wait3A_57 = tpu.memref_squeeze %dma_wait3A : memref<1x640xf32, #tpu.memory_space<hbm>> -> memref<640xf32, #tpu.memory_space<hbm>>
      %dma_wait3A_58 = tpu.memref_slice %arg7[%mul3A_52] : memref<10240xf32, #tpu.memory_space<vmem_shared>> -> memref<640xf32, #tpu.memory_space<vmem_shared>>
      tpu.wait_dma2 semaphore(%run_scoped3A : memref<!tpu.dma_semaphore, #tpu.memory_space<semaphore_mem>>) src(%dma_wait3A_58 : memref<640xf32, #tpu.memory_space<vmem_shared>>) dst(%dma_wait3A_57 : memref<640xf32, #tpu.memory_space<hbm>>)
      tpu.yield
    }) : () -> ()
    return
  }
}

#map = affine_map<(d0, d1) -> (0, 0)>
#map1 = affine_map<(d0, d1) -> (0, 0, 0)>
module attributes {stable_mosaic.version = 14 : i64} {
  func.func @scat_kernel(%arg0: i32, %arg1: i32, %arg2: memref<10000x128xf32, #tpu.memory_space<hbm>>, %arg3: memref<32x107x128xi32, #tpu.memory_space<hbm>>, %arg4: memref<32x107x128xi32, #tpu.memory_space<hbm>>, %arg5: memref<2x10000x128xf32, #tpu.memory_space<hbm>>, %arg6: memref<107x128xi32, #tpu.memory_space<vmem>>, %arg7: memref<107x128xi32, #tpu.memory_space<vmem>>, %arg8: memref<128x128xf32, #tpu.memory_space<vmem>>, %arg9: memref<16x128xf32, #tpu.memory_space<vmem>>, %arg10: memref<10112x128xf32, #tpu.memory_space<vmem_shared>>, %arg11: memref<!tpu.dma_semaphore, #tpu.memory_space<semaphore_mem>>) attributes {dimension_semantics = [#tpu.dimension_semantics<core_parallel>, #tpu.dimension_semantics<subcore_parallel>], iteration_bounds = array<i64: 2, 16>, scalar_prefetch = 0 : i64, scratch_operands = 6 : i64, tpu.core_type = #tpu.core_type<sc_vector_subcore>, window_params = [{transform_indices = #map}, {transform_indices = #map1}, {transform_indices = #map1}, {transform_indices = #map1}]} {
    %mul3A = arith.constant 16 : i32
    %mul3A_0 = arith.muli %arg0, %mul3A : i32
    %add3A = arith.addi %mul3A_0, %arg1 : i32
    %eq3A = arith.constant 0 : i32
    %eq3A_1 = arith.cmpi eq, %arg0, %eq3A : i32
    %jit3A = arith.constant 107 : i32
    %jit3A_2 = arith.constant 50 : i32
    %select_n3A = arith.select %eq3A_1, %jit3A, %jit3A_2 : i32
    %broadcast_in_dim3A = arith.constant 0.000000e+00 : f32
    %broadcast_in_dim3A_3 = vector.broadcast %broadcast_in_dim3A : f32 to vector<16xf32>
    %scan3A = arith.constant 0 : i32
    %scan3A_4 = arith.constant 0 : i32
    %scan3A_5 = arith.constant 16 : i32
    %scan3A_6 = arith.addi %scan3A_4, %scan3A_5 : i32
    %scan3A_7 = arith.constant 1 : i32
    %scan3A_8 = scf.for %scan3A_40 = %scan3A_4 to %scan3A_6 step %scan3A_7 iter_args(%scan3A_41 = %scan3A) -> (i32)  : i32 {
      %swap3A = arith.index_cast %scan3A_40 : i32 to index
      %swap3A_42 = arith.constant 0 : index
      %swap3A_43 = tpu.vector_load %arg9[%swap3A, %swap3A_42] {strides = array<i32>} : memref<16x128xf32, #tpu.memory_space<vmem>>, vector<1x16xf32>,
      %swap3A_44 = vector.shape_cast %swap3A_43 : vector<1x16xf32> to vector<16xf32>
      %swap3A_45 = vector.shape_cast %broadcast_in_dim3A_3 : vector<16xf32> to vector<1x16xf32>
      tpu.vector_store %arg9[%swap3A, %swap3A_42], %swap3A_45 {strides = array<i32>} : memref<16x128xf32, #tpu.memory_space<vmem>>, vector<1x16xf32>,
      %swap3A_46 = arith.index_cast %scan3A_40 : i32 to index
      %swap3A_47 = arith.constant 16 : index
      %swap3A_48 = tpu.vector_load %arg9[%swap3A_46, %swap3A_47] {strides = array<i32>} : memref<16x128xf32, #tpu.memory_space<vmem>>, vector<1x16xf32>,
      %swap3A_49 = vector.shape_cast %swap3A_48 : vector<1x16xf32> to vector<16xf32>
      %swap3A_50 = vector.shape_cast %broadcast_in_dim3A_3 : vector<16xf32> to vector<1x16xf32>
      tpu.vector_store %arg9[%swap3A_46, %swap3A_47], %swap3A_50 {strides = array<i32>} : memref<16x128xf32, #tpu.memory_space<vmem>>, vector<1x16xf32>,
      %swap3A_51 = arith.index_cast %scan3A_40 : i32 to index
      %swap3A_52 = arith.constant 32 : index
      %swap3A_53 = tpu.vector_load %arg9[%swap3A_51, %swap3A_52] {strides = array<i32>} : memref<16x128xf32, #tpu.memory_space<vmem>>, vector<1x16xf32>,
      %swap3A_54 = vector.shape_cast %swap3A_53 : vector<1x16xf32> to vector<16xf32>
      %swap3A_55 = vector.shape_cast %broadcast_in_dim3A_3 : vector<16xf32> to vector<1x16xf32>
      tpu.vector_store %arg9[%swap3A_51, %swap3A_52], %swap3A_55 {strides = array<i32>} : memref<16x128xf32, #tpu.memory_space<vmem>>, vector<1x16xf32>,
      %swap3A_56 = arith.index_cast %scan3A_40 : i32 to index
      %swap3A_57 = arith.constant 48 : index
      %swap3A_58 = tpu.vector_load %arg9[%swap3A_56, %swap3A_57] {strides = array<i32>} : memref<16x128xf32, #tpu.memory_space<vmem>>, vector<1x16xf32>,
      %swap3A_59 = vector.shape_cast %swap3A_58 : vector<1x16xf32> to vector<16xf32>
      %swap3A_60 = vector.shape_cast %broadcast_in_dim3A_3 : vector<16xf32> to vector<1x16xf32>
      tpu.vector_store %arg9[%swap3A_56, %swap3A_57], %swap3A_60 {strides = array<i32>} : memref<16x128xf32, #tpu.memory_space<vmem>>, vector<1x16xf32>,
      %swap3A_61 = arith.index_cast %scan3A_40 : i32 to index
      %swap3A_62 = arith.constant 64 : index
      %swap3A_63 = tpu.vector_load %arg9[%swap3A_61, %swap3A_62] {strides = array<i32>} : memref<16x128xf32, #tpu.memory_space<vmem>>, vector<1x16xf32>,
      %swap3A_64 = vector.shape_cast %swap3A_63 : vector<1x16xf32> to vector<16xf32>
      %swap3A_65 = vector.shape_cast %broadcast_in_dim3A_3 : vector<16xf32> to vector<1x16xf32>
      tpu.vector_store %arg9[%swap3A_61, %swap3A_62], %swap3A_65 {strides = array<i32>} : memref<16x128xf32, #tpu.memory_space<vmem>>, vector<1x16xf32>,
      %swap3A_66 = arith.index_cast %scan3A_40 : i32 to index
      %swap3A_67 = arith.constant 80 : index
      %swap3A_68 = tpu.vector_load %arg9[%swap3A_66, %swap3A_67] {strides = array<i32>} : memref<16x128xf32, #tpu.memory_space<vmem>>, vector<1x16xf32>,
      %swap3A_69 = vector.shape_cast %swap3A_68 : vector<1x16xf32> to vector<16xf32>
      %swap3A_70 = vector.shape_cast %broadcast_in_dim3A_3 : vector<16xf32> to vector<1x16xf32>
      tpu.vector_store %arg9[%swap3A_66, %swap3A_67], %swap3A_70 {strides = array<i32>} : memref<16x128xf32, #tpu.memory_space<vmem>>, vector<1x16xf32>,
      %swap3A_71 = arith.index_cast %scan3A_40 : i32 to index
      %swap3A_72 = arith.constant 96 : index
      %swap3A_73 = tpu.vector_load %arg9[%swap3A_71, %swap3A_72] {strides = array<i32>} : memref<16x128xf32, #tpu.memory_space<vmem>>, vector<1x16xf32>,
      %swap3A_74 = vector.shape_cast %swap3A_73 : vector<1x16xf32> to vector<16xf32>
      %swap3A_75 = vector.shape_cast %broadcast_in_dim3A_3 : vector<16xf32> to vector<1x16xf32>
      tpu.vector_store %arg9[%swap3A_71, %swap3A_72], %swap3A_75 {strides = array<i32>} : memref<16x128xf32, #tpu.memory_space<vmem>>, vector<1x16xf32>,
      %swap3A_76 = arith.index_cast %scan3A_40 : i32 to index
      %swap3A_77 = arith.constant 112 : index
      %swap3A_78 = tpu.vector_load %arg9[%swap3A_76, %swap3A_77] {strides = array<i32>} : memref<16x128xf32, #tpu.memory_space<vmem>>, vector<1x16xf32>,
      %swap3A_79 = vector.shape_cast %swap3A_78 : vector<1x16xf32> to vector<16xf32>
      %swap3A_80 = vector.shape_cast %broadcast_in_dim3A_3 : vector<16xf32> to vector<1x16xf32>
      tpu.vector_store %arg9[%swap3A_76, %swap3A_77], %swap3A_80 {strides = array<i32>} : memref<16x128xf32, #tpu.memory_space<vmem>>, vector<1x16xf32>,
      %scan3A_81 = arith.constant 0 : i32
      scf.yield %scan3A_81 : i32
    }
    %scan3A_9 = arith.constant 16 : i32
    %scan3A_10 = arith.constant 0 : i32
    %scan3A_11 = arith.constant 0 : i32
    %scan3A_12 = arith.constant 39 : i32
    %scan3A_13 = arith.addi %scan3A_11, %scan3A_12 : i32
    %scan3A_14 = arith.constant 1 : i32
    %scan3A_15 = scf.for %scan3A_40 = %scan3A_11 to %scan3A_13 step %scan3A_14 iter_args(%scan3A_41 = %scan3A_10) -> (i32)  : i32 {
      %mul3A_42 = arith.constant 632 : i32
      %mul3A_43 = arith.muli %arg1, %mul3A_42 : i32
      %mul3A_44 = arith.constant 16 : i32
      %mul3A_45 = arith.muli %scan3A_40, %mul3A_44 : i32
      %add3A_46 = arith.addi %mul3A_43, %mul3A_45 : i32
      "tpu.region"() ({
        %run_scoped3A = tpu.sem_alloc : memref<!tpu.dma_semaphore, #tpu.memory_space<semaphore_mem>>
        %dma_start3A = arith.constant 0 : i32
        %dma_start3A_48 = tpu.memref_slice %arg10[%add3A_46, %dma_start3A] : memref<10112x128xf32, #tpu.memory_space<vmem_shared>> -> memref<16x128xf32, #tpu.memory_space<vmem_shared>>
        %dma_start3A_49 = arith.constant 0 : i32
        %dma_start3A_50 = tpu.memref_slice %arg10[%add3A_46, %dma_start3A_49] : memref<10112x128xf32, #tpu.memory_space<vmem_shared>> -> memref<16x128xf32, #tpu.memory_space<vmem_shared>>
        tpu.enqueue_dma source(%arg9 : memref<16x128xf32, #tpu.memory_space<vmem>>) target(%dma_start3A_50 : memref<16x128xf32, #tpu.memory_space<vmem_shared>>) target_semaphore(%run_scoped3A : memref<!tpu.dma_semaphore, #tpu.memory_space<semaphore_mem>>)
        %dma_wait3A = arith.constant 0 : i32
        %dma_wait3A_51 = tpu.memref_slice %arg10[%add3A_46, %dma_wait3A] : memref<10112x128xf32, #tpu.memory_space<vmem_shared>> -> memref<16x128xf32, #tpu.memory_space<vmem_shared>>
        %dma_wait3A_52 = arith.constant 0 : i32
        %dma_wait3A_53 = tpu.memref_slice %arg10[%add3A_46, %dma_wait3A_52] : memref<10112x128xf32, #tpu.memory_space<vmem_shared>> -> memref<16x128xf32, #tpu.memory_space<vmem_shared>>
        tpu.wait_dma2 semaphore(%run_scoped3A : memref<!tpu.dma_semaphore, #tpu.memory_space<semaphore_mem>>) src(%arg9 : memref<16x128xf32, #tpu.memory_space<vmem>>) dst(%dma_wait3A_53 : memref<16x128xf32, #tpu.memory_space<vmem_shared>>)
        tpu.yield
      }) : () -> ()
      %scan3A_47 = arith.constant 0 : i32
      scf.yield %scan3A_47 : i32
    }
    %scan3A_16 = arith.constant 39 : i32
    %mul3A_17 = arith.constant 632 : i32
    %mul3A_18 = arith.muli %arg1, %mul3A_17 : i32
    %add3A_19 = arith.constant 624 : i32
    %add3A_20 = arith.addi %mul3A_18, %add3A_19 : i32
    "tpu.region"() ({
      %run_scoped3A = tpu.sem_alloc : memref<!tpu.dma_semaphore, #tpu.memory_space<semaphore_mem>>
      %dma_start3A = arith.constant 0 : i32
      %dma_start3A_40 = arith.constant 0 : i32
      %dma_start3A_41 = tpu.memref_slice %arg9[%dma_start3A, %dma_start3A_40] : memref<16x128xf32, #tpu.memory_space<vmem>> -> memref<8x128xf32, #tpu.memory_space<vmem>>
      %dma_start3A_42 = arith.constant 0 : i32
      %dma_start3A_43 = tpu.memref_slice %arg10[%add3A_20, %dma_start3A_42] : memref<10112x128xf32, #tpu.memory_space<vmem_shared>> -> memref<8x128xf32, #tpu.memory_space<vmem_shared>>
      %dma_start3A_44 = arith.constant 0 : i32
      %dma_start3A_45 = tpu.memref_slice %arg10[%add3A_20, %dma_start3A_44] : memref<10112x128xf32, #tpu.memory_space<vmem_shared>> -> memref<8x128xf32, #tpu.memory_space<vmem_shared>>
      %dma_start3A_46 = arith.constant 0 : i32
      %dma_start3A_47 = arith.constant 0 : i32
      %dma_start3A_48 = tpu.memref_slice %arg9[%dma_start3A_46, %dma_start3A_47] : memref<16x128xf32, #tpu.memory_space<vmem>> -> memref<8x128xf32, #tpu.memory_space<vmem>>
      tpu.enqueue_dma source(%dma_start3A_48 : memref<8x128xf32, #tpu.memory_space<vmem>>) target(%dma_start3A_45 : memref<8x128xf32, #tpu.memory_space<vmem_shared>>) target_semaphore(%run_scoped3A : memref<!tpu.dma_semaphore, #tpu.memory_space<semaphore_mem>>)
      %dma_wait3A = arith.constant 0 : i32
      %dma_wait3A_49 = arith.constant 0 : i32
      %dma_wait3A_50 = tpu.memref_slice %arg9[%dma_wait3A, %dma_wait3A_49] : memref<16x128xf32, #tpu.memory_space<vmem>> -> memref<8x128xf32, #tpu.memory_space<vmem>>
      %dma_wait3A_51 = arith.constant 0 : i32
      %dma_wait3A_52 = tpu.memref_slice %arg10[%add3A_20, %dma_wait3A_51] : memref<10112x128xf32, #tpu.memory_space<vmem_shared>> -> memref<8x128xf32, #tpu.memory_space<vmem_shared>>
      %dma_wait3A_53 = arith.constant 0 : i32
      %dma_wait3A_54 = tpu.memref_slice %arg10[%add3A_20, %dma_wait3A_53] : memref<10112x128xf32, #tpu.memory_space<vmem_shared>> -> memref<8x128xf32, #tpu.memory_space<vmem_shared>>
      %dma_wait3A_55 = arith.constant 0 : i32
      %dma_wait3A_56 = arith.constant 0 : i32
      %dma_wait3A_57 = tpu.memref_slice %arg9[%dma_wait3A_55, %dma_wait3A_56] : memref<16x128xf32, #tpu.memory_space<vmem>> -> memref<8x128xf32, #tpu.memory_space<vmem>>
      tpu.wait_dma2 semaphore(%run_scoped3A : memref<!tpu.dma_semaphore, #tpu.memory_space<semaphore_mem>>) src(%dma_wait3A_57 : memref<8x128xf32, #tpu.memory_space<vmem>>) dst(%dma_wait3A_54 : memref<8x128xf32, #tpu.memory_space<vmem_shared>>)
      tpu.yield
    }) : () -> ()
    %barrier3A = arith.constant 0 : index
    tpu.barrier barrier_id(%barrier3A)
    "tpu.region"() ({
      %run_scoped3A = tpu.sem_alloc : memref<!tpu.dma_semaphore, #tpu.memory_space<semaphore_mem>>
      %dma_start3A = arith.constant 0 : i32
      %dma_start3A_40 = arith.constant 0 : i32
      %dma_start3A_41 = tpu.memref_slice %arg3[%add3A, %dma_start3A, %dma_start3A_40] : memref<32x107x128xi32, #tpu.memory_space<hbm>> -> memref<1x107x128xi32, #tpu.memory_space<hbm>>
      %dma_start3A_42 = tpu.memref_squeeze %dma_start3A_41 : memref<1x107x128xi32, #tpu.memory_space<hbm>> -> memref<107x128xi32, #tpu.memory_space<hbm>>
      %dma_start3A_43 = arith.constant 0 : i32
      %dma_start3A_44 = arith.constant 0 : i32
      %dma_start3A_45 = tpu.memref_slice %arg3[%add3A, %dma_start3A_43, %dma_start3A_44] : memref<32x107x128xi32, #tpu.memory_space<hbm>> -> memref<1x107x128xi32, #tpu.memory_space<hbm>>
      %dma_start3A_46 = tpu.memref_squeeze %dma_start3A_45 : memref<1x107x128xi32, #tpu.memory_space<hbm>> -> memref<107x128xi32, #tpu.memory_space<hbm>>
      tpu.enqueue_dma source(%dma_start3A_46 : memref<107x128xi32, #tpu.memory_space<hbm>>) target(%arg6 : memref<107x128xi32, #tpu.memory_space<vmem>>) target_semaphore(%run_scoped3A : memref<!tpu.dma_semaphore, #tpu.memory_space<semaphore_mem>>)
      %dma_wait3A = arith.constant 0 : i32
      %dma_wait3A_47 = arith.constant 0 : i32
      %dma_wait3A_48 = tpu.memref_slice %arg3[%add3A, %dma_wait3A, %dma_wait3A_47] : memref<32x107x128xi32, #tpu.memory_space<hbm>> -> memref<1x107x128xi32, #tpu.memory_space<hbm>>
      %dma_wait3A_49 = tpu.memref_squeeze %dma_wait3A_48 : memref<1x107x128xi32, #tpu.memory_space<hbm>> -> memref<107x128xi32, #tpu.memory_space<hbm>>
      %dma_wait3A_50 = arith.constant 0 : i32
      %dma_wait3A_51 = arith.constant 0 : i32
      %dma_wait3A_52 = tpu.memref_slice %arg3[%add3A, %dma_wait3A_50, %dma_wait3A_51] : memref<32x107x128xi32, #tpu.memory_space<hbm>> -> memref<1x107x128xi32, #tpu.memory_space<hbm>>
      %dma_wait3A_53 = tpu.memref_squeeze %dma_wait3A_52 : memref<1x107x128xi32, #tpu.memory_space<hbm>> -> memref<107x128xi32, #tpu.memory_space<hbm>>
      tpu.wait_dma2 semaphore(%run_scoped3A : memref<!tpu.dma_semaphore, #tpu.memory_space<semaphore_mem>>) src(%dma_wait3A_53 : memref<107x128xi32, #tpu.memory_space<hbm>>) dst(%arg6 : memref<107x128xi32, #tpu.memory_space<vmem>>)
      tpu.yield
    }) : () -> ()
    "tpu.region"() ({
      %run_scoped3A = tpu.sem_alloc : memref<!tpu.dma_semaphore, #tpu.memory_space<semaphore_mem>>
      %dma_start3A = arith.constant 0 : i32
      %dma_start3A_40 = arith.constant 0 : i32
      %dma_start3A_41 = tpu.memref_slice %arg4[%add3A, %dma_start3A, %dma_start3A_40] : memref<32x107x128xi32, #tpu.memory_space<hbm>> -> memref<1x107x128xi32, #tpu.memory_space<hbm>>
      %dma_start3A_42 = tpu.memref_squeeze %dma_start3A_41 : memref<1x107x128xi32, #tpu.memory_space<hbm>> -> memref<107x128xi32, #tpu.memory_space<hbm>>
      %dma_start3A_43 = arith.constant 0 : i32
      %dma_start3A_44 = arith.constant 0 : i32
      %dma_start3A_45 = tpu.memref_slice %arg4[%add3A, %dma_start3A_43, %dma_start3A_44] : memref<32x107x128xi32, #tpu.memory_space<hbm>> -> memref<1x107x128xi32, #tpu.memory_space<hbm>>
      %dma_start3A_46 = tpu.memref_squeeze %dma_start3A_45 : memref<1x107x128xi32, #tpu.memory_space<hbm>> -> memref<107x128xi32, #tpu.memory_space<hbm>>
      tpu.enqueue_dma source(%dma_start3A_46 : memref<107x128xi32, #tpu.memory_space<hbm>>) target(%arg7 : memref<107x128xi32, #tpu.memory_space<vmem>>) target_semaphore(%run_scoped3A : memref<!tpu.dma_semaphore, #tpu.memory_space<semaphore_mem>>)
      %dma_wait3A = arith.constant 0 : i32
      %dma_wait3A_47 = arith.constant 0 : i32
      %dma_wait3A_48 = tpu.memref_slice %arg4[%add3A, %dma_wait3A, %dma_wait3A_47] : memref<32x107x128xi32, #tpu.memory_space<hbm>> -> memref<1x107x128xi32, #tpu.memory_space<hbm>>
      %dma_wait3A_49 = tpu.memref_squeeze %dma_wait3A_48 : memref<1x107x128xi32, #tpu.memory_space<hbm>> -> memref<107x128xi32, #tpu.memory_space<hbm>>
      %dma_wait3A_50 = arith.constant 0 : i32
      %dma_wait3A_51 = arith.constant 0 : i32
      %dma_wait3A_52 = tpu.memref_slice %arg4[%add3A, %dma_wait3A_50, %dma_wait3A_51] : memref<32x107x128xi32, #tpu.memory_space<hbm>> -> memref<1x107x128xi32, #tpu.memory_space<hbm>>
      %dma_wait3A_53 = tpu.memref_squeeze %dma_wait3A_52 : memref<1x107x128xi32, #tpu.memory_space<hbm>> -> memref<107x128xi32, #tpu.memory_space<hbm>>
      tpu.wait_dma2 semaphore(%run_scoped3A : memref<!tpu.dma_semaphore, #tpu.memory_space<semaphore_mem>>) src(%dma_wait3A_53 : memref<107x128xi32, #tpu.memory_space<hbm>>) dst(%arg7 : memref<107x128xi32, #tpu.memory_space<vmem>>)
      tpu.yield
    }) : () -> ()
    %while3A = arith.constant 0 : i32
    %while3A_21 = arith.constant 0 : i32
    %while3A_22 = arith.subi %select_n3A, %while3A : i32
    %while3A_23 = arith.addi %while3A, %while3A_22 : i32
    %while3A_24 = arith.constant 1 : i32
    %while3A_25 = arith.divsi %while3A_22, %while3A_24 : i32
    %while3A_26 = arith.muli %while3A_25, %while3A_24 : i32
    %while3A_27 = arith.addi %while3A, %while3A_26 : i32
    %while3A_28 = arith.constant 1 : i32
    %while3A_29 = scf.for %while3A_40 = %while3A to %while3A_27 step %while3A_28 iter_args(%while3A_41 = %while3A_21) -> (i32)  : i32 {
      %dma_start3A = arith.constant 0 : i32
      %dma_start3A_42 = tpu.memref_slice %arg6[%while3A_40, %dma_start3A] : memref<107x128xi32, #tpu.memory_space<vmem>> -> memref<1x128xi32, #tpu.memory_space<vmem>>
      %dma_start3A_43 = tpu.memref_squeeze %dma_start3A_42 : memref<1x128xi32, #tpu.memory_space<vmem>> -> memref<128xi32, #tpu.memory_space<vmem>>
      %dma_start3A_44 = arith.constant 0 : i32
      %dma_start3A_45 = arith.constant 0 : i32
      %dma_start3A_46 = tpu.memref_slice %arg2[%dma_start3A_44, %dma_start3A_45] : memref<10000x128xf32, #tpu.memory_space<hbm>> -> memref<10000x128xf32, #tpu.memory_space<hbm>>
      tpu.enqueue_indirect_dma source(%dma_start3A_46 : memref<10000x128xf32, #tpu.memory_space<hbm>>) target(%arg8 : memref<128x128xf32, #tpu.memory_space<vmem>>) offsets(%dma_start3A_43 : memref<128xi32, #tpu.memory_space<vmem>>) semaphore(%arg11 : memref<!tpu.dma_semaphore, #tpu.memory_space<semaphore_mem>>)
      %dma_wait3A = arith.constant 0 : i32
      %dma_wait3A_47 = tpu.memref_slice %arg6[%while3A_40, %dma_wait3A] : memref<107x128xi32, #tpu.memory_space<vmem>> -> memref<1x128xi32, #tpu.memory_space<vmem>>
      %dma_wait3A_48 = tpu.memref_squeeze %dma_wait3A_47 : memref<1x128xi32, #tpu.memory_space<vmem>> -> memref<128xi32, #tpu.memory_space<vmem>>
      %dma_wait3A_49 = arith.constant 0 : i32
      %dma_wait3A_50 = arith.constant 0 : i32
      %dma_wait3A_51 = tpu.memref_slice %arg2[%dma_wait3A_49, %dma_wait3A_50] : memref<10000x128xf32, #tpu.memory_space<hbm>> -> memref<10000x128xf32, #tpu.memory_space<hbm>>
      tpu.wait_indirect_dma semaphore(%arg11 : memref<!tpu.dma_semaphore, #tpu.memory_space<semaphore_mem>>) src(%dma_wait3A_51 : memref<10000x128xf32, #tpu.memory_space<hbm>>) dst(%arg8 : memref<128x128xf32, #tpu.memory_space<vmem>>)
      "tpu.region"() ({
        %run_scoped3A = tpu.sem_alloc : memref<!tpu.dma_semaphore, #tpu.memory_space<semaphore_mem>>
        %dma_start3A_53 = arith.constant 0 : i32
        %dma_start3A_54 = tpu.memref_slice %arg7[%while3A_40, %dma_start3A_53] : memref<107x128xi32, #tpu.memory_space<vmem>> -> memref<1x128xi32, #tpu.memory_space<vmem>>
        %dma_start3A_55 = tpu.memref_squeeze %dma_start3A_54 : memref<1x128xi32, #tpu.memory_space<vmem>> -> memref<128xi32, #tpu.memory_space<vmem>>
        %dma_start3A_56 = arith.constant 0 : i32
        %dma_start3A_57 = arith.constant 0 : i32
        %dma_start3A_58 = tpu.memref_slice %arg10[%dma_start3A_56, %dma_start3A_57] : memref<10112x128xf32, #tpu.memory_space<vmem_shared>> -> memref<10112x128xf32, #tpu.memory_space<vmem_shared>>
        tpu.enqueue_indirect_dma source(%arg8 : memref<128x128xf32, #tpu.memory_space<vmem>>) target(%dma_start3A_58 : memref<10112x128xf32, #tpu.memory_space<vmem_shared>>) offsets(%dma_start3A_55 : memref<128xi32, #tpu.memory_space<vmem>>) semaphore(%run_scoped3A : memref<!tpu.dma_semaphore, #tpu.memory_space<semaphore_mem>>) {add = true}
        %dma_wait3A_59 = arith.constant 0 : i32
        %dma_wait3A_60 = tpu.memref_slice %arg7[%while3A_40, %dma_wait3A_59] : memref<107x128xi32, #tpu.memory_space<vmem>> -> memref<1x128xi32, #tpu.memory_space<vmem>>
        %dma_wait3A_61 = tpu.memref_squeeze %dma_wait3A_60 : memref<1x128xi32, #tpu.memory_space<vmem>> -> memref<128xi32, #tpu.memory_space<vmem>>
        %dma_wait3A_62 = arith.constant 0 : i32
        %dma_wait3A_63 = arith.constant 0 : i32
        %dma_wait3A_64 = tpu.memref_slice %arg10[%dma_wait3A_62, %dma_wait3A_63] : memref<10112x128xf32, #tpu.memory_space<vmem_shared>> -> memref<10112x128xf32, #tpu.memory_space<vmem_shared>>
        tpu.wait_indirect_dma semaphore(%run_scoped3A : memref<!tpu.dma_semaphore, #tpu.memory_space<semaphore_mem>>) src(%arg8 : memref<128x128xf32, #tpu.memory_space<vmem>>) dst(%dma_wait3A_64 : memref<10112x128xf32, #tpu.memory_space<vmem_shared>>)
        tpu.yield
      }) : () -> ()
      %while3A_52 = arith.constant 0 : i32
      scf.yield %while3A_52 : i32
    }
    %while3A_30 = arith.constant 1 : i32
    %while3A_31 = scf.for %while3A_40 = %while3A_27 to %while3A_23 step %while3A_30 iter_args(%while3A_41 = %while3A_29) -> (i32)  : i32 {
      %dma_start3A = arith.constant 0 : i32
      %dma_start3A_42 = tpu.memref_slice %arg6[%while3A_40, %dma_start3A] : memref<107x128xi32, #tpu.memory_space<vmem>> -> memref<1x128xi32, #tpu.memory_space<vmem>>
      %dma_start3A_43 = tpu.memref_squeeze %dma_start3A_42 : memref<1x128xi32, #tpu.memory_space<vmem>> -> memref<128xi32, #tpu.memory_space<vmem>>
      %dma_start3A_44 = arith.constant 0 : i32
      %dma_start3A_45 = arith.constant 0 : i32
      %dma_start3A_46 = tpu.memref_slice %arg2[%dma_start3A_44, %dma_start3A_45] : memref<10000x128xf32, #tpu.memory_space<hbm>> -> memref<10000x128xf32, #tpu.memory_space<hbm>>
      tpu.enqueue_indirect_dma source(%dma_start3A_46 : memref<10000x128xf32, #tpu.memory_space<hbm>>) target(%arg8 : memref<128x128xf32, #tpu.memory_space<vmem>>) offsets(%dma_start3A_43 : memref<128xi32, #tpu.memory_space<vmem>>) semaphore(%arg11 : memref<!tpu.dma_semaphore, #tpu.memory_space<semaphore_mem>>)
      %dma_wait3A = arith.constant 0 : i32
      %dma_wait3A_47 = tpu.memref_slice %arg6[%while3A_40, %dma_wait3A] : memref<107x128xi32, #tpu.memory_space<vmem>> -> memref<1x128xi32, #tpu.memory_space<vmem>>
      %dma_wait3A_48 = tpu.memref_squeeze %dma_wait3A_47 : memref<1x128xi32, #tpu.memory_space<vmem>> -> memref<128xi32, #tpu.memory_space<vmem>>
      %dma_wait3A_49 = arith.constant 0 : i32
      %dma_wait3A_50 = arith.constant 0 : i32
      %dma_wait3A_51 = tpu.memref_slice %arg2[%dma_wait3A_49, %dma_wait3A_50] : memref<10000x128xf32, #tpu.memory_space<hbm>> -> memref<10000x128xf32, #tpu.memory_space<hbm>>
      tpu.wait_indirect_dma semaphore(%arg11 : memref<!tpu.dma_semaphore, #tpu.memory_space<semaphore_mem>>) src(%dma_wait3A_51 : memref<10000x128xf32, #tpu.memory_space<hbm>>) dst(%arg8 : memref<128x128xf32, #tpu.memory_space<vmem>>)
      "tpu.region"() ({
        %run_scoped3A = tpu.sem_alloc : memref<!tpu.dma_semaphore, #tpu.memory_space<semaphore_mem>>
        %dma_start3A_53 = arith.constant 0 : i32
        %dma_start3A_54 = tpu.memref_slice %arg7[%while3A_40, %dma_start3A_53] : memref<107x128xi32, #tpu.memory_space<vmem>> -> memref<1x128xi32, #tpu.memory_space<vmem>>
        %dma_start3A_55 = tpu.memref_squeeze %dma_start3A_54 : memref<1x128xi32, #tpu.memory_space<vmem>> -> memref<128xi32, #tpu.memory_space<vmem>>
        %dma_start3A_56 = arith.constant 0 : i32
        %dma_start3A_57 = arith.constant 0 : i32
        %dma_start3A_58 = tpu.memref_slice %arg10[%dma_start3A_56, %dma_start3A_57] : memref<10112x128xf32, #tpu.memory_space<vmem_shared>> -> memref<10112x128xf32, #tpu.memory_space<vmem_shared>>
        tpu.enqueue_indirect_dma source(%arg8 : memref<128x128xf32, #tpu.memory_space<vmem>>) target(%dma_start3A_58 : memref<10112x128xf32, #tpu.memory_space<vmem_shared>>) offsets(%dma_start3A_55 : memref<128xi32, #tpu.memory_space<vmem>>) semaphore(%run_scoped3A : memref<!tpu.dma_semaphore, #tpu.memory_space<semaphore_mem>>) {add = true}
        %dma_wait3A_59 = arith.constant 0 : i32
        %dma_wait3A_60 = tpu.memref_slice %arg7[%while3A_40, %dma_wait3A_59] : memref<107x128xi32, #tpu.memory_space<vmem>> -> memref<1x128xi32, #tpu.memory_space<vmem>>
        %dma_wait3A_61 = tpu.memref_squeeze %dma_wait3A_60 : memref<1x128xi32, #tpu.memory_space<vmem>> -> memref<128xi32, #tpu.memory_space<vmem>>
        %dma_wait3A_62 = arith.constant 0 : i32
        %dma_wait3A_63 = arith.constant 0 : i32
        %dma_wait3A_64 = tpu.memref_slice %arg10[%dma_wait3A_62, %dma_wait3A_63] : memref<10112x128xf32, #tpu.memory_space<vmem_shared>> -> memref<10112x128xf32, #tpu.memory_space<vmem_shared>>
        tpu.wait_indirect_dma semaphore(%run_scoped3A : memref<!tpu.dma_semaphore, #tpu.memory_space<semaphore_mem>>) src(%arg8 : memref<128x128xf32, #tpu.memory_space<vmem>>) dst(%dma_wait3A_64 : memref<10112x128xf32, #tpu.memory_space<vmem_shared>>)
        tpu.yield
      }) : () -> ()
      %while3A_52 = arith.constant 0 : i32
      scf.yield %while3A_52 : i32
    }
    %barrier3A_32 = arith.constant 0 : index
    tpu.barrier barrier_id(%barrier3A_32)
    %ne3A = arith.constant 15 : i32
    %ne3A_33 = arith.cmpi ne, %arg1, %ne3A : i32
    %convert_element_type3A = arith.extui %ne3A_33 : i1 to i32
    %cond3A = arith.constant 0 : i32
    %cond3A_34 = arith.cmpi ne, %convert_element_type3A, %cond3A : i32
    scf.if %cond3A_34 {
      %mul3A_40 = arith.constant 632 : i32
      %mul3A_41 = arith.muli %arg1, %mul3A_40 : i32
      %mul3A_42 = arith.constant 632 : i32
      %mul3A_43 = arith.muli %arg1, %mul3A_42 : i32
      "tpu.region"() ({
        %run_scoped3A = tpu.sem_alloc : memref<!tpu.dma_semaphore, #tpu.memory_space<semaphore_mem>>
        %dma_start3A = arith.constant 0 : i32
        %dma_start3A_44 = tpu.memref_slice %arg5[%arg0, %mul3A_43, %dma_start3A] : memref<2x10000x128xf32, #tpu.memory_space<hbm>> -> memref<1x632x128xf32, #tpu.memory_space<hbm>>
        %dma_start3A_45 = tpu.memref_squeeze %dma_start3A_44 : memref<1x632x128xf32, #tpu.memory_space<hbm>> -> memref<632x128xf32, #tpu.memory_space<hbm>>
        %dma_start3A_46 = arith.constant 0 : i32
        %dma_start3A_47 = tpu.memref_slice %arg10[%mul3A_41, %dma_start3A_46] : memref<10112x128xf32, #tpu.memory_space<vmem_shared>> -> memref<632x128xf32, #tpu.memory_space<vmem_shared>>
        tpu.enqueue_dma source(%dma_start3A_47 : memref<632x128xf32, #tpu.memory_space<vmem_shared>>) target(%dma_start3A_45 : memref<632x128xf32, #tpu.memory_space<hbm>>) target_semaphore(%run_scoped3A : memref<!tpu.dma_semaphore, #tpu.memory_space<semaphore_mem>>)
        %dma_wait3A = arith.constant 0 : i32
        %dma_wait3A_48 = tpu.memref_slice %arg5[%arg0, %mul3A_43, %dma_wait3A] : memref<2x10000x128xf32, #tpu.memory_space<hbm>> -> memref<1x632x128xf32, #tpu.memory_space<hbm>>
        %dma_wait3A_49 = tpu.memref_squeeze %dma_wait3A_48 : memref<1x632x128xf32, #tpu.memory_space<hbm>> -> memref<632x128xf32, #tpu.memory_space<hbm>>
        %dma_wait3A_50 = arith.constant 0 : i32
        %dma_wait3A_51 = tpu.memref_slice %arg10[%mul3A_41, %dma_wait3A_50] : memref<10112x128xf32, #tpu.memory_space<vmem_shared>> -> memref<632x128xf32, #tpu.memory_space<vmem_shared>>
        tpu.wait_dma2 semaphore(%run_scoped3A : memref<!tpu.dma_semaphore, #tpu.memory_space<semaphore_mem>>) src(%dma_wait3A_51 : memref<632x128xf32, #tpu.memory_space<vmem_shared>>) dst(%dma_wait3A_49 : memref<632x128xf32, #tpu.memory_space<hbm>>)
        tpu.yield
      }) : () -> ()
    } else {
    }
    %eq3A_35 = arith.constant 15 : i32
    %eq3A_36 = arith.cmpi eq, %arg1, %eq3A_35 : i32
    %convert_element_type3A_37 = arith.extui %eq3A_36 : i1 to i32
    %cond3A_38 = arith.constant 0 : i32
    %cond3A_39 = arith.cmpi ne, %convert_element_type3A_37, %cond3A_38 : i32
    scf.if %cond3A_39 {
      "tpu.region"() ({
        %run_scoped3A = tpu.sem_alloc : memref<!tpu.dma_semaphore, #tpu.memory_space<semaphore_mem>>
        %dma_start3A = arith.constant 9480 : i32
        %dma_start3A_40 = arith.constant 0 : i32
        %dma_start3A_41 = tpu.memref_slice %arg5[%arg0, %dma_start3A, %dma_start3A_40] : memref<2x10000x128xf32, #tpu.memory_space<hbm>> -> memref<1x520x128xf32, #tpu.memory_space<hbm>>
        %dma_start3A_42 = tpu.memref_squeeze %dma_start3A_41 : memref<1x520x128xf32, #tpu.memory_space<hbm>> -> memref<520x128xf32, #tpu.memory_space<hbm>>
        %dma_start3A_43 = arith.constant 9480 : i32
        %dma_start3A_44 = arith.constant 0 : i32
        %dma_start3A_45 = tpu.memref_slice %arg10[%dma_start3A_43, %dma_start3A_44] : memref<10112x128xf32, #tpu.memory_space<vmem_shared>> -> memref<520x128xf32, #tpu.memory_space<vmem_shared>>
        tpu.enqueue_dma source(%dma_start3A_45 : memref<520x128xf32, #tpu.memory_space<vmem_shared>>) target(%dma_start3A_42 : memref<520x128xf32, #tpu.memory_space<hbm>>) target_semaphore(%run_scoped3A : memref<!tpu.dma_semaphore, #tpu.memory_space<semaphore_mem>>)
        %dma_wait3A = arith.constant 9480 : i32
        %dma_wait3A_46 = arith.constant 0 : i32
        %dma_wait3A_47 = tpu.memref_slice %arg5[%arg0, %dma_wait3A, %dma_wait3A_46] : memref<2x10000x128xf32, #tpu.memory_space<hbm>> -> memref<1x520x128xf32, #tpu.memory_space<hbm>>
        %dma_wait3A_48 = tpu.memref_squeeze %dma_wait3A_47 : memref<1x520x128xf32, #tpu.memory_space<hbm>> -> memref<520x128xf32, #tpu.memory_space<hbm>>
        %dma_wait3A_49 = arith.constant 9480 : i32
        %dma_wait3A_50 = arith.constant 0 : i32
        %dma_wait3A_51 = tpu.memref_slice %arg10[%dma_wait3A_49, %dma_wait3A_50] : memref<10112x128xf32, #tpu.memory_space<vmem_shared>> -> memref<520x128xf32, #tpu.memory_space<vmem_shared>>
        tpu.wait_dma2 semaphore(%run_scoped3A : memref<!tpu.dma_semaphore, #tpu.memory_space<semaphore_mem>>) src(%dma_wait3A_51 : memref<520x128xf32, #tpu.memory_space<vmem_shared>>) dst(%dma_wait3A_48 : memref<520x128xf32, #tpu.memory_space<hbm>>)
        tpu.yield
      }) : () -> ()
    } else {
    }
    return
  }
}

module attributes {stable_mosaic.version = 14 : i64} {
  func.func @_t1_body(%arg0: i32, %arg1: memref<2000x128xf32, #tpu.memory_space<vmem>>, %arg2: memref<128x128xf32, #tpu.memory_space<vmem>>, %arg3: memref<2000x2xf32, #tpu.memory_space<vmem>>, %arg4: memref<2000x128xf32, #tpu.memory_space<vmem>>) attributes {dimension_semantics = [#tpu.dimension_semantics<arbitrary>], iteration_bounds = array<i64: 5>, scalar_prefetch = 0 : i64, scratch_operands = 0 : i64, tpu.core_type = #tpu.core_type<tc>, window_params = [{transform_indices = @transform_0, window_bounds = array<i64: 2000, 128>}, {pipeline_mode = #tpu.pipeline_mode<synchronous>, transform_indices = @transform_1, window_bounds = array<i64: 128, 128>}, {transform_indices = @transform_2, window_bounds = array<i64: 2000, 2>}, {transform_indices = @transform_3, window_bounds = array<i64: 2000, 128>}]} {
    %get3A = arith.constant 0 : index
    %get3A_0 = arith.constant 0 : index
    %get3A_1 = vector.load %arg3[%get3A, %get3A_0] : memref<2000x2xf32, #tpu.memory_space<vmem>>, vector<2000x1xf32>
    %get3A_2 = vector.shape_cast %get3A_1 : vector<2000x1xf32> to vector<2000xf32>
    %get3A_3 = arith.constant 0 : index
    %get3A_4 = arith.constant 1 : index
    %get3A_5 = vector.load %arg3[%get3A_3, %get3A_4] : memref<2000x2xf32, #tpu.memory_space<vmem>>, vector<2000x1xf32>
    %get3A_6 = vector.shape_cast %get3A_5 : vector<2000x1xf32> to vector<2000xf32>
    %add3A = arith.addf %get3A_2, %get3A_6 : vector<2000xf32>
    %add3A_7 = arith.constant 1.000000e+00 : f32
    %add3A_8 = vector.broadcast %add3A_7 : f32 to vector<2000xf32>
    %add3A_9 = arith.addf %add3A, %add3A_8 : vector<2000xf32>
    %rsqrt3A = math.rsqrt %add3A_9 : vector<2000xf32>
    %get3A_10 = arith.constant 0 : index
    %get3A_11 = arith.constant 0 : index
    %get3A_12 = vector.load %arg1[%get3A_10, %get3A_11] : memref<2000x128xf32, #tpu.memory_space<vmem>>, vector<2000x128xf32>
    %get3A_13 = arith.constant 0 : index
    %get3A_14 = arith.constant 0 : index
    %get3A_15 = vector.load %arg2[%get3A_13, %get3A_14] : memref<128x128xf32, #tpu.memory_space<vmem>>, vector<128x128xf32>
    %dot_general3A = arith.constant dense<0.000000e+00> : vector<2000x128xf32>
    %dot_general3A_16 = tpu.matmul %get3A_12, %get3A_15, %dot_general3A {dimension_numbers = #tpu.dot_dimension_numbers<[1], [0], [0], [1], [0, 0, 1, 1], [], []>, transpose_lhs_hint = false} : vector<2000x128xf32>, vector<128x128xf32>, vector<2000x128xf32> -> vector<2000x128xf32>
    %broadcast_in_dim3A = vector.shape_cast %rsqrt3A : vector<2000xf32> to vector<2000x1xf32>
    %mul3A = vector.broadcast %broadcast_in_dim3A : vector<2000x1xf32> to vector<2000x128xf32>
    %mul3A_17 = arith.mulf %dot_general3A_16, %mul3A : vector<2000x128xf32>
    %swap3A = arith.constant 0 : index
    %swap3A_18 = arith.constant 0 : index
    %swap3A_19 = vector.load %arg4[%swap3A, %swap3A_18] : memref<2000x128xf32, #tpu.memory_space<vmem>>, vector<2000x128xf32>
    tpu.vector_store %arg4[%swap3A, %swap3A_18], %mul3A_17 {strides = array<i32>} : memref<2000x128xf32, #tpu.memory_space<vmem>>, vector<2000x128xf32>,
    return
  }
  func.func @transform_0(%arg0: i32) -> (i32, i32) {
    %c0_i32 = arith.constant 0 : i32
    %c0_i32_0 = arith.constant 0 : i32
    return %arg0, %c0_i32 : i32, i32
  }
  func.func @transform_1(%arg0: i32) -> (i32, i32) {
    %c0_i32 = arith.constant 0 : i32
    %c0_i32_0 = arith.constant 0 : i32
    %c0_i32_1 = arith.constant 0 : i32
    return %c0_i32, %c0_i32_0 : i32, i32
  }
  func.func @transform_2(%arg0: i32) -> (i32, i32) {
    %c0_i32 = arith.constant 0 : i32
    %c0_i32_0 = arith.constant 0 : i32
    return %arg0, %c0_i32 : i32, i32
  }
  func.func @transform_3(%arg0: i32) -> (i32, i32) {
    %c0_i32 = arith.constant 0 : i32
    %c0_i32_0 = arith.constant 0 : i32
    return %arg0, %c0_i32 : i32, i32
  }
}

module attributes {stable_mosaic.version = 14 : i64} {
  func.func @_t2_body(%arg0: i32, %arg1: memref<2000x128xf32, #tpu.memory_space<vmem>>, %arg2: memref<2000x128xf32, #tpu.memory_space<vmem>>, %arg3: memref<2000x128xf32, #tpu.memory_space<vmem>>, %arg4: memref<2000x2xf32, #tpu.memory_space<vmem>>, %arg5: memref<1x128xf32, #tpu.memory_space<vmem>>, %arg6: memref<128x128xf32, #tpu.memory_space<vmem>>, %arg7: memref<2000x128xf32, #tpu.memory_space<vmem>>) attributes {dimension_semantics = [#tpu.dimension_semantics<arbitrary>], iteration_bounds = array<i64: 5>, scalar_prefetch = 0 : i64, scratch_operands = 0 : i64, tpu.core_type = #tpu.core_type<tc>, window_params = [{transform_indices = @transform_0, window_bounds = array<i64: 2000, 128>}, {transform_indices = @transform_1, window_bounds = array<i64: 2000, 128>}, {transform_indices = @transform_2, window_bounds = array<i64: 2000, 128>}, {transform_indices = @transform_3, window_bounds = array<i64: 2000, 2>}, {pipeline_mode = #tpu.pipeline_mode<synchronous>, transform_indices = @transform_4, window_bounds = array<i64: 1, 128>}, {pipeline_mode = #tpu.pipeline_mode<synchronous>, transform_indices = @transform_5, window_bounds = array<i64: 128, 128>}, {transform_indices = @transform_6, window_bounds = array<i64: 2000, 128>}]} {
    %get3A = arith.constant 0 : index
    %get3A_0 = arith.constant 0 : index
    %get3A_1 = vector.load %arg4[%get3A, %get3A_0] : memref<2000x2xf32, #tpu.memory_space<vmem>>, vector<2000x1xf32>
    %get3A_2 = vector.shape_cast %get3A_1 : vector<2000x1xf32> to vector<2000xf32>
    %get3A_3 = arith.constant 0 : index
    %get3A_4 = arith.constant 1 : index
    %get3A_5 = vector.load %arg4[%get3A_3, %get3A_4] : memref<2000x2xf32, #tpu.memory_space<vmem>>, vector<2000x1xf32>
    %get3A_6 = vector.shape_cast %get3A_5 : vector<2000x1xf32> to vector<2000xf32>
    %add3A = arith.addf %get3A_2, %get3A_6 : vector<2000xf32>
    %add3A_7 = arith.constant 1.000000e+00 : f32
    %add3A_8 = vector.broadcast %add3A_7 : f32 to vector<2000xf32>
    %add3A_9 = arith.addf %add3A, %add3A_8 : vector<2000xf32>
    %rsqrt3A = math.rsqrt %add3A_9 : vector<2000xf32>
    %get3A_10 = arith.constant 0 : index
    %get3A_11 = arith.constant 0 : index
    %get3A_12 = vector.load %arg1[%get3A_10, %get3A_11] : memref<2000x128xf32, #tpu.memory_space<vmem>>, vector<2000x128xf32>
    %get3A_13 = arith.constant 0 : index
    %get3A_14 = arith.constant 0 : index
    %get3A_15 = vector.load %arg2[%get3A_13, %get3A_14] : memref<2000x128xf32, #tpu.memory_space<vmem>>, vector<2000x128xf32>
    %add3A_16 = arith.addf %get3A_12, %get3A_15 : vector<2000x128xf32>
    %get3A_17 = arith.constant 0 : index
    %get3A_18 = arith.constant 0 : index
    %get3A_19 = vector.load %arg3[%get3A_17, %get3A_18] : memref<2000x128xf32, #tpu.memory_space<vmem>>, vector<2000x128xf32>
    %add3A_20 = arith.addf %add3A_16, %get3A_19 : vector<2000x128xf32>
    %broadcast_in_dim3A = vector.shape_cast %rsqrt3A : vector<2000xf32> to vector<2000x1xf32>
    %mul3A = vector.broadcast %broadcast_in_dim3A : vector<2000x1xf32> to vector<2000x128xf32>
    %mul3A_21 = arith.mulf %add3A_20, %mul3A : vector<2000x128xf32>
    %get3A_22 = arith.constant 0 : index
    %get3A_23 = arith.constant 0 : index
    %get3A_24 = vector.load %arg5[%get3A_22, %get3A_23] : memref<1x128xf32, #tpu.memory_space<vmem>>, vector<1x128xf32>
    %add3A_25 = vector.broadcast %get3A_24 : vector<1x128xf32> to vector<2000x128xf32>
    %add3A_26 = arith.addf %mul3A_21, %add3A_25 : vector<2000x128xf32>
    %max3A = arith.constant 0.000000e+00 : f32
    %max3A_27 = vector.broadcast %max3A : f32 to vector<2000x128xf32>
    %max3A_28 = arith.maximumf %add3A_26, %max3A_27 : vector<2000x128xf32>
    %get3A_29 = arith.constant 0 : index
    %get3A_30 = arith.constant 0 : index
    %get3A_31 = vector.load %arg6[%get3A_29, %get3A_30] : memref<128x128xf32, #tpu.memory_space<vmem>>, vector<128x128xf32>
    %dot_general3A = arith.constant dense<0.000000e+00> : vector<2000x128xf32>
    %dot_general3A_32 = tpu.matmul %max3A_28, %get3A_31, %dot_general3A {dimension_numbers = #tpu.dot_dimension_numbers<[1], [0], [0], [1], [0, 0, 1, 1], [], []>, transpose_lhs_hint = false} : vector<2000x128xf32>, vector<128x128xf32>, vector<2000x128xf32> -> vector<2000x128xf32>
    %broadcast_in_dim3A_33 = vector.shape_cast %rsqrt3A : vector<2000xf32> to vector<2000x1xf32>
    %mul3A_34 = vector.broadcast %broadcast_in_dim3A_33 : vector<2000x1xf32> to vector<2000x128xf32>
    %mul3A_35 = arith.mulf %dot_general3A_32, %mul3A_34 : vector<2000x128xf32>
    %swap3A = arith.constant 0 : index
    %swap3A_36 = arith.constant 0 : index
    %swap3A_37 = vector.load %arg7[%swap3A, %swap3A_36] : memref<2000x128xf32, #tpu.memory_space<vmem>>, vector<2000x128xf32>
    tpu.vector_store %arg7[%swap3A, %swap3A_36], %mul3A_35 {strides = array<i32>} : memref<2000x128xf32, #tpu.memory_space<vmem>>, vector<2000x128xf32>,
    return
  }
  func.func @transform_0(%arg0: i32) -> (i32, i32) {
    %c0_i32 = arith.constant 0 : i32
    %c0_i32_0 = arith.constant 0 : i32
    return %arg0, %c0_i32 : i32, i32
  }
  func.func @transform_1(%arg0: i32) -> (i32, i32) {
    %c0_i32 = arith.constant 0 : i32
    %c0_i32_0 = arith.constant 0 : i32
    return %arg0, %c0_i32 : i32, i32
  }
  func.func @transform_2(%arg0: i32) -> (i32, i32) {
    %c0_i32 = arith.constant 0 : i32
    %c0_i32_0 = arith.constant 0 : i32
    return %arg0, %c0_i32 : i32, i32
  }
  func.func @transform_3(%arg0: i32) -> (i32, i32) {
    %c0_i32 = arith.constant 0 : i32
    %c0_i32_0 = arith.constant 0 : i32
    return %arg0, %c0_i32 : i32, i32
  }
  func.func @transform_4(%arg0: i32) -> (i32, i32) {
    %c0_i32 = arith.constant 0 : i32
    %c0_i32_0 = arith.constant 0 : i32
    %c0_i32_1 = arith.constant 0 : i32
    return %c0_i32, %c0_i32_0 : i32, i32
  }
  func.func @transform_5(%arg0: i32) -> (i32, i32) {
    %c0_i32 = arith.constant 0 : i32
    %c0_i32_0 = arith.constant 0 : i32
    %c0_i32_1 = arith.constant 0 : i32
    return %c0_i32, %c0_i32_0 : i32, i32
  }
  func.func @transform_6(%arg0: i32) -> (i32, i32) {
    %c0_i32 = arith.constant 0 : i32
    %c0_i32_0 = arith.constant 0 : i32
    return %arg0, %c0_i32 : i32, i32
  }
}

module attributes {stable_mosaic.version = 14 : i64} {
  func.func @_t3_body(%arg0: i32, %arg1: memref<2000x128xf32, #tpu.memory_space<vmem>>, %arg2: memref<2000x128xf32, #tpu.memory_space<vmem>>, %arg3: memref<2000x128xf32, #tpu.memory_space<vmem>>, %arg4: memref<2000x2xf32, #tpu.memory_space<vmem>>, %arg5: memref<1x128xf32, #tpu.memory_space<vmem>>, %arg6: memref<128x64xf32, #tpu.memory_space<vmem>>, %arg7: memref<1x64xf32, #tpu.memory_space<vmem>>, %arg8: memref<2000x64xf32, #tpu.memory_space<vmem>>) attributes {dimension_semantics = [#tpu.dimension_semantics<arbitrary>], iteration_bounds = array<i64: 5>, scalar_prefetch = 0 : i64, scratch_operands = 0 : i64, tpu.core_type = #tpu.core_type<tc>, window_params = [{transform_indices = @transform_0, window_bounds = array<i64: 2000, 128>}, {transform_indices = @transform_1, window_bounds = array<i64: 2000, 128>}, {transform_indices = @transform_2, window_bounds = array<i64: 2000, 128>}, {transform_indices = @transform_3, window_bounds = array<i64: 2000, 2>}, {pipeline_mode = #tpu.pipeline_mode<synchronous>, transform_indices = @transform_4, window_bounds = array<i64: 1, 128>}, {pipeline_mode = #tpu.pipeline_mode<synchronous>, transform_indices = @transform_5, window_bounds = array<i64: 128, 64>}, {pipeline_mode = #tpu.pipeline_mode<synchronous>, transform_indices = @transform_6, window_bounds = array<i64: 1, 64>}, {transform_indices = @transform_7, window_bounds = array<i64: 2000, 64>}]} {
    %get3A = arith.constant 0 : index
    %get3A_0 = arith.constant 0 : index
    %get3A_1 = vector.load %arg4[%get3A, %get3A_0] : memref<2000x2xf32, #tpu.memory_space<vmem>>, vector<2000x1xf32>
    %get3A_2 = vector.shape_cast %get3A_1 : vector<2000x1xf32> to vector<2000xf32>
    %get3A_3 = arith.constant 0 : index
    %get3A_4 = arith.constant 1 : index
    %get3A_5 = vector.load %arg4[%get3A_3, %get3A_4] : memref<2000x2xf32, #tpu.memory_space<vmem>>, vector<2000x1xf32>
    %get3A_6 = vector.shape_cast %get3A_5 : vector<2000x1xf32> to vector<2000xf32>
    %add3A = arith.addf %get3A_2, %get3A_6 : vector<2000xf32>
    %add3A_7 = arith.constant 1.000000e+00 : f32
    %add3A_8 = vector.broadcast %add3A_7 : f32 to vector<2000xf32>
    %add3A_9 = arith.addf %add3A, %add3A_8 : vector<2000xf32>
    %rsqrt3A = math.rsqrt %add3A_9 : vector<2000xf32>
    %get3A_10 = arith.constant 0 : index
    %get3A_11 = arith.constant 0 : index
    %get3A_12 = vector.load %arg1[%get3A_10, %get3A_11] : memref<2000x128xf32, #tpu.memory_space<vmem>>, vector<2000x128xf32>
    %get3A_13 = arith.constant 0 : index
    %get3A_14 = arith.constant 0 : index
    %get3A_15 = vector.load %arg2[%get3A_13, %get3A_14] : memref<2000x128xf32, #tpu.memory_space<vmem>>, vector<2000x128xf32>
    %add3A_16 = arith.addf %get3A_12, %get3A_15 : vector<2000x128xf32>
    %get3A_17 = arith.constant 0 : index
    %get3A_18 = arith.constant 0 : index
    %get3A_19 = vector.load %arg3[%get3A_17, %get3A_18] : memref<2000x128xf32, #tpu.memory_space<vmem>>, vector<2000x128xf32>
    %add3A_20 = arith.addf %add3A_16, %get3A_19 : vector<2000x128xf32>
    %broadcast_in_dim3A = vector.shape_cast %rsqrt3A : vector<2000xf32> to vector<2000x1xf32>
    %mul3A = vector.broadcast %broadcast_in_dim3A : vector<2000x1xf32> to vector<2000x128xf32>
    %mul3A_21 = arith.mulf %add3A_20, %mul3A : vector<2000x128xf32>
    %get3A_22 = arith.constant 0 : index
    %get3A_23 = arith.constant 0 : index
    %get3A_24 = vector.load %arg5[%get3A_22, %get3A_23] : memref<1x128xf32, #tpu.memory_space<vmem>>, vector<1x128xf32>
    %add3A_25 = vector.broadcast %get3A_24 : vector<1x128xf32> to vector<2000x128xf32>
    %add3A_26 = arith.addf %mul3A_21, %add3A_25 : vector<2000x128xf32>
    %max3A = arith.constant 0.000000e+00 : f32
    %max3A_27 = vector.broadcast %max3A : f32 to vector<2000x128xf32>
    %max3A_28 = arith.maximumf %add3A_26, %max3A_27 : vector<2000x128xf32>
    %get3A_29 = arith.constant 0 : index
    %get3A_30 = arith.constant 0 : index
    %get3A_31 = vector.load %arg6[%get3A_29, %get3A_30] : memref<128x64xf32, #tpu.memory_space<vmem>>, vector<128x64xf32>
    %dot_general3A = arith.constant dense<0.000000e+00> : vector<2000x64xf32>
    %dot_general3A_32 = tpu.matmul %max3A_28, %get3A_31, %dot_general3A {dimension_numbers = #tpu.dot_dimension_numbers<[1], [0], [0], [1], [0, 0, 1, 1], [], []>, transpose_lhs_hint = false} : vector<2000x128xf32>, vector<128x64xf32>, vector<2000x64xf32> -> vector<2000x64xf32>
    %get3A_33 = arith.constant 0 : index
    %get3A_34 = arith.constant 0 : index
    %get3A_35 = vector.load %arg7[%get3A_33, %get3A_34] : memref<1x64xf32, #tpu.memory_space<vmem>>, vector<1x64xf32>
    %add3A_36 = vector.broadcast %get3A_35 : vector<1x64xf32> to vector<2000x64xf32>
    %add3A_37 = arith.addf %dot_general3A_32, %add3A_36 : vector<2000x64xf32>
    %reduce_max3A = arith.constant dense<0xFF800000> : vector<2000xf32>
    %reduce_max3A_38 = vector.multi_reduction <maximumf>, %add3A_37, %reduce_max3A [1] : vector<2000x64xf32> to vector<2000xf32>
    %broadcast_in_dim3A_39 = vector.shape_cast %reduce_max3A_38 : vector<2000xf32> to vector<2000x1xf32>
    %sub3A = vector.broadcast %broadcast_in_dim3A_39 : vector<2000x1xf32> to vector<2000x64xf32>
    %sub3A_40 = arith.subf %add3A_37, %sub3A : vector<2000x64xf32>
    %exp3A = math.exp %sub3A_40 : vector<2000x64xf32>
    %reduce_sum3A = arith.constant dense<0.000000e+00> : vector<2000xf32>
    %reduce_sum3A_41 = vector.multi_reduction <add>, %exp3A, %reduce_sum3A [1] : vector<2000x64xf32> to vector<2000xf32>
    %broadcast_in_dim3A_42 = vector.shape_cast %reduce_sum3A_41 : vector<2000xf32> to vector<2000x1xf32>
    %log3A = math.log %broadcast_in_dim3A_42 : vector<2000x1xf32>
    %add3A_43 = arith.addf %log3A, %broadcast_in_dim3A_39 : vector<2000x1xf32>
    %sub3A_44 = vector.broadcast %add3A_43 : vector<2000x1xf32> to vector<2000x64xf32>
    %sub3A_45 = arith.subf %add3A_37, %sub3A_44 : vector<2000x64xf32>
    %swap3A = arith.constant 0 : index
    %swap3A_46 = arith.constant 0 : index
    %swap3A_47 = vector.load %arg8[%swap3A, %swap3A_46] : memref<2000x64xf32, #tpu.memory_space<vmem>>, vector<2000x64xf32>
    tpu.vector_store %arg8[%swap3A, %swap3A_46], %sub3A_45 {strides = array<i32>} : memref<2000x64xf32, #tpu.memory_space<vmem>>, vector<2000x64xf32>,
    return
  }
  func.func @transform_0(%arg0: i32) -> (i32, i32) {
    %c0_i32 = arith.constant 0 : i32
    %c0_i32_0 = arith.constant 0 : i32
    return %arg0, %c0_i32 : i32, i32
  }
  func.func @transform_1(%arg0: i32) -> (i32, i32) {
    %c0_i32 = arith.constant 0 : i32
    %c0_i32_0 = arith.constant 0 : i32
    return %arg0, %c0_i32 : i32, i32
  }
  func.func @transform_2(%arg0: i32) -> (i32, i32) {
    %c0_i32 = arith.constant 0 : i32
    %c0_i32_0 = arith.constant 0 : i32
    return %arg0, %c0_i32 : i32, i32
  }
  func.func @transform_3(%arg0: i32) -> (i32, i32) {
    %c0_i32 = arith.constant 0 : i32
    %c0_i32_0 = arith.constant 0 : i32
    return %arg0, %c0_i32 : i32, i32
  }
  func.func @transform_4(%arg0: i32) -> (i32, i32) {
    %c0_i32 = arith.constant 0 : i32
    %c0_i32_0 = arith.constant 0 : i32
    %c0_i32_1 = arith.constant 0 : i32
    return %c0_i32, %c0_i32_0 : i32, i32
  }
  func.func @transform_5(%arg0: i32) -> (i32, i32) {
    %c0_i32 = arith.constant 0 : i32
    %c0_i32_0 = arith.constant 0 : i32
    %c0_i32_1 = arith.constant 0 : i32
    return %c0_i32, %c0_i32_0 : i32, i32
  }
  func.func @transform_6(%arg0: i32) -> (i32, i32) {
    %c0_i32 = arith.constant 0 : i32
    %c0_i32_0 = arith.constant 0 : i32
    %c0_i32_1 = arith.constant 0 : i32
    return %c0_i32, %c0_i32_0 : i32, i32
  }
  func.func @transform_7(%arg0: i32) -> (i32, i32) {
    %c0_i32 = arith.constant 0 : i32
    %c0_i32_0 = arith.constant 0 : i32
    return %arg0, %c0_i32 : i32, i32
  }
}

</mosaic_0001>

<sc_bundles>
// kernel: kernel.11.cloned.1.call-start
scs
__scs_entry_jumppad:
0x0: {  	(pc) =	sbr.rel $0x88, $3  }
0x1: {  	(tag) =	ssettag $0x0;
	lr =	simm.s32 $0x1  }
0x2: {  	[smem:$0x3F99] =	sst lr;
	_ =	strace $0xD0000000  }
0x3: {  	_ = 	snop  }
0x4: {  	_ = 	snop  }
0x5: {  	_ = 	snop  }
0x6: {  	_ = 	snop  }
0x7: {  	_ = 	snop  }
__scs_overlays_trampoline_lowered:
0x8: {  	[smem:$0x3FA8] =	sst s0  }
0x9: {  	[smem:$0x3FA9] =	sst s1  }
0xa: {  	[smem:$0x3FAA] =	sst s2  }
0xb: {  	[smem:$0x3FAB] =	sst s3  }
0xc: {  	[smem:$0x3FAC] =	sst s4  }
0xd: {  	[smem:$0x3FAD] =	sst s5  }
0xe: {  	[smem:$0x3FAE] =	sst s6  }
0xf: {  	[smem:$0x3FAF] =	sst s7  }
0x10: {  	[smem:$0x3FB0] =	sst s8  }
0x11: {  	[smem:$0x3FB1] =	sst s9;
	s0 =	simm.s32 @!p0 $0x0  }
0x12: {  	s1 =	sld [smem:$0x3F97];
	s0 =	simm.s32 @p0 $0x1  }
0x13: {  	[smem:$0x3FB2] =	sst s0;
	s0 =	simm.s32 @!p1 $0x0  }
0x14: {  	s2 =	sld [smem:$0x3F96];
	s0 =	simm.s32 @p1 $0x1  }
0x15: {  	[smem:$0x3FB3] =	sst s0;
	s0 =	simm.s32 @!p2 $0x0  }
0x16: {  	s3 =	sld [smem:$0x3FDB];
	s0 =	simm.s32 @p2 $0x1  }
0x17: {  	s4 =	simm.s32 $0x1BF5;
	[smem:$0x3FB5] =	sst s0  }
0x18: {  	s0 =	sld [smem:$0x3F98];
	_ =	swait.ge [sflag:s4], $0x0  }
0x19: {  	s7 =	sld [smem:$0x3F99]  }
0x1a: {  	s8 =	sadd.s32 $0xFFFFE003, lr  }
0x1b: {  	s9 =	sadd.s32 $0xFFFFFEF7, lr;
	s5 =	simm.s32 $0xFFFFFFFF;
	p2 =	slt.u32 s8, $0xFFFFF086  }
0x1c: {  	p1 =	slt.u32 s9, $0xF7A;
	s5 =	simm.s32 @!p2 $0x0  }
0x1d: {  	s5 =	simm.s32 @p1 $0x1;
	p0 =	seq.s32 s7, s2  }
0x1e: {  	s7 =	smul.u32 @!p0 $0xF7A, s2;
	p2 =	seq.s32 @!p0 s5, $0x0  }
0x1f: {  	s9 =	smul.u32 $0xF7A, s1;
	s8 =	simm.s32 @!p0 $0x1BF5;
	p2 =	por !p2, p0  }
0x20: {  	[sflag:s8] =	ssyncset.s32 @!p0 $0xFFFFF086;
	s6 =	sadd.s32 @!p0 s3, s7;
	s7 =	simm.s32 @!p0 $0x108  }
0x21: {  	s3 =	sadd.s32 s3, s9;
	s6 =	sadd.s32 @!p0 $0x88, s6;
	s7 =	simm.s32 @p2 $0x1082  }
0x22: {  	[simem:s7], [sflag:s8] =	dma.local @!p0 [hbm:s6], $0xF7A  }
0x23: {  	s9 =	sor.u32 $0xD0000000, s2;
	s6 =	simm.s32 $0x108;
	_ =	swait.ge @!p0 [sflag:s8], $0x0  }
0x24: {  	s3 =	sadd.s32 $0x88, s3;
	s6 =	simm.s32 @!p1 $0x1082;
	[sflag:s4] =	ssyncset.s32 $0xFFFFF086  }
0x25: {  	[simem:s6], [sflag:s4] =	dma.local [hbm:s3], $0xF7A  }
0x26: {  	[smem:$0x3F99] =	sst s1;
	(tag) =	ssettag s2;
	_ =	strace s9  }
0x27: {  	s1 =	sld [smem:$0x3FA9]  }
0x28: {  	s2 =	sld [smem:$0x3FAA]  }
0x29: {  	s4 =	sld [smem:$0x3FAC]  }
0x2a: {  	p0 =	seq.s32 s5, $0x0;
	s5 =	sld [smem:$0x3FAD]  }
0x2b: {  	s6 =	sld [smem:$0x3FAE]  }
0x2c: {  	s7 =	sld [smem:$0x3FAF]  }
0x2d: {  	s3 =	simm.s32 $0x108;
	s8 =	sld [smem:$0x3FB0]  }
0x2e: {  	s3 =	simm.s32 @!p0 $0x1082;
	s9 =	sld [smem:$0x3FB1]  }
0x2f: {  	lr =	sadd.s32 s0, s3;
	s0 =	sld [smem:$0x3FA8]  }
0x30: {  	s3 =	sld [smem:$0x3FAB]  }
0x31: {  	[smem:$0x3FB4] =	sst s10  }
0x32: {  	s10 =	sld [smem:$0x3FB2];
	_ =	sdelay $0x3  }
0x33: {  	p0 =	seq.s32 s10, $0x1;
	s10 =	sld [smem:$0x3FB4];
	_ =	sdelay $0x3  }
0x34: {  	[smem:$0x3FB4] =	sst s10  }
0x35: {  	s10 =	sld [smem:$0x3FB3];
	_ =	sdelay $0x3  }
0x36: {  	p1 =	seq.s32 s10, $0x1;
	s10 =	sld [smem:$0x3FB4];
	_ =	sdelay $0x3  }
0x37: {  	[smem:$0x3FB4] =	sst s10  }
0x38: {  	s10 =	sld [smem:$0x3FB5]  }
0x39: {  	_ = 	snop;
	(pc) =	sbr.ind lr, $3  }
0x3a: {  	_ = 	snop  }
0x3b: {  	_ = 	snop  }
0x3c: {  	p2 =	seq.s32 s10, $0x1;
	s10 =	sld [smem:$0x3FB4]  }
0x3d: {  	_ =	shalt  }
0x3e: {  	_ =	shalt  }
0x3f: {  	_ =	shalt  }
0x40: {  	_ =	shalt  }
0x41: {  	_ =	shalt  }
0x42: {  	_ =	shalt  }
0x43: {  	_ =	shalt  }
0x44: {  	_ =	shalt  }
0x45: {  	_ =	shalt  }
0x46: {  	_ =	shalt  }
0x47: {  	_ =	shalt  }
0x48: {  	_ =	shalt  }
0x49: {  	_ =	shalt  }
0x4a: {  	_ =	shalt  }
0x4b: {  	_ =	shalt  }
0x4c: {  	_ =	shalt  }
0x4d: {  	_ =	shalt  }
0x4e: {  	_ =	shalt  }
0x4f: {  	_ =	shalt  }
0x50: {  	_ =	shalt  }
0x51: {  	_ =	shalt  }
0x52: {  	_ =	shalt  }
0x53: {  	_ =	shalt  }
0x54: {  	_ =	shalt  }
0x55: {  	_ =	shalt  }
0x56: {  	_ =	shalt  }
0x57: {  	_ =	shalt  }
0x58: {  	_ =	shalt  }
0x59: {  	_ =	shalt  }
0x5a: {  	_ =	shalt  }
0x5b: {  	_ =	shalt  }
0x5c: {  	_ =	shalt  }
0x5d: {  	_ =	shalt  }
0x5e: {  	_ =	shalt  }
0x5f: {  	_ =	shalt  }
0x60: {  	_ =	shalt  }
0x61: {  	_ =	shalt  }
0x62: {  	_ =	shalt  }
0x63: {  	_ =	shalt  }
0x64: {  	_ =	shalt  }
0x65: {  	_ =	shalt  }
0x66: {  	_ =	shalt  }
0x67: {  	_ =	shalt  }
0x68: {  	_ =	shalt  }
0x69: {  	_ =	shalt  }
0x6a: {  	_ =	shalt  }
0x6b: {  	_ =	shalt  }
0x6c: {  	_ =	shalt  }
0x6d: {  	_ =	shalt  }
0x6e: {  	_ =	shalt  }
0x6f: {  	_ =	shalt  }
0x70: {  	_ =	shalt  }
0x71: {  	_ =	shalt  }
0x72: {  	_ =	shalt  }
0x73: {  	_ =	shalt  }
0x74: {  	_ =	shalt  }
0x75: {  	_ =	shalt  }
0x76: {  	_ =	shalt  }
0x77: {  	_ =	shalt  }
0x78: {  	_ =	shalt  }
0x79: {  	_ =	shalt  }
0x7a: {  	_ =	shalt  }
0x7b: {  	_ =	shalt  }
0x7c: {  	_ =	shalt  }
0x7d: {  	_ =	shalt  }
0x7e: {  	_ =	shalt  }
0x7f: {  	_ =	shalt  }
0x80: {  	_ =	shalt  }
0x81: {  	_ =	shalt  }
0x82: {  	_ =	shalt  }
0x83: {  	_ =	shalt  }
0x84: {  	_ =	shalt  }
0x85: {  	_ =	shalt  }
0x86: {  	_ =	shalt  }
0x87: {  	_ =	shalt  }
.Lfunc_end0:
.L_simem_size_0:
called_computation.1_lowered:
.L_overlay_start_0:
0x88: {  	s2 =	sld [smem:$0x3FD9]  }
0x89: {  	s3 =	sld [smem:$0x3FFE];
	_ =	sdelay $0x1  }
0x8a: {  	s1 =	srdreg.scid  }
0x8b: {  	s0 =	sand.u32 $0x1, s1  }
0x8c: {  	s17 =	sshll.u32 s0, $0xA;
	s2 =	sadd.s32 s3, s2  }
0x8d: {  	s2 =	sadd.s32 s2, s17  }
0x8e: {  	[smem:$0x3FC0] =	sst s2  }
0x8f: {  	_ = 	snop  }
0x90: {  	s2 =	sld [smem:$0x3FD0];
	(tm) =	ssettm $0x1  }
0x91: {  	s18 =	sld [smem:$0x3FFB];
	_ =	sdelay $0x3  }
0x92: {  	_ =	strace s18  }
0x93: {  	s3 =	sld [smem:$0x3FFC];
	_ =	sdelay $0x3  }
0x94: {  	_ =	strace s3  }
0x95: {  	s3 =	sld [smem:$0x3FFD];
	_ =	sdelay $0x3  }
0x96: {  	_ =	strace s3  }
0x97: {  	_ =	strace $0x8FFFFFFF  }
0x98: {  	s19 =	sld [smem:$0x3FDB];
	_ =	sdelay $0x1  }
0x99: {  	s4 =	simm.s32 $_scs_section_size  }
0x9a: {  	s5 =	simm.s32 $_size__tile_overlayer_lowered;
	s6 =	simm.s32 $_tile_overlayer_lowered  }
0x9b: {  	s22 =	simm.s32 $0x1BFF;
	s21 =	sshll.u32 s6, $0x1;
	s3 =	sadd.s32 s4, s19  }
0x9c: {  	s7 =	simm.s32 $0x0;
	s20 =	sshll.u32 s5, $0x1;
	s5 =	sadd.s32 s21, s3  }
0x9d: {  	[timem:s7], [sflag:s22] =	dma.local [hbm:s5], s20  }
0x9e: {  	_ =	swait.ge [sflag:s22], s20  }
0x9f: {  	s4 =	ssub.s32 $0x0, s20;
	[sflag:s22] =	ssyncset.done $0x0  }
0xa0: {  	[sflag:s22] =	ssyncadd.s32 s4;
	_ =	sdelay $0x1  }
0xa1: {  	s23 =	simm.s32 $0x1B8B  }
0xa2: {  	_ =	swait.ge [sflag:s23], $0x1  }
0xa3: {  	[sflag:s23] =	ssyncset.done $0x0  }
0xa4: {  	s25 =	simm.s32 $0x1B8E;
	s24 =	sld [smem:$0x3FFE];
	[sflag:s23] =	ssyncadd.s32 $0xFFFFFFFF  }
0xa5: {  	s26 =	simm.s32 $execute0_lowered;
	[smem:$0x3FD2] =	sst s25  }
0xa6: {  	s5 =	sshll.u32 s26, $0x1;
	_ =	strace $0x80000049;
	[dreg:$0x1] =	wrdreg $0xFFFFFFFF  }
0xa7: {  	s28 =	simm.s32 $_size_execute0_lowered;
	s3 =	sadd.s32 s3, s5;
	[dreg:$0x0] =	wrdreg $0x0  }
0xa8: {  	s5 =	sshll.u32 s28, $0x1;
	[dreg:$0x2] =	wrdreg s3  }
0xa9: {  	[dreg:$0x3] =	wrdreg s5  }
0xaa: {  	[dreg:$0x4] =	wrdreg $0xC0  }
0xab: {  	_ =	task [dreg:s7], $0x5FFFF  }
0xac: {  	[dreg:$0x1] =	wrdreg $0xFFFFFFFF  }
0xad: {  	[dreg:$0x0] =	wrdreg $0x60  }
0xae: {  	[dreg:$0x2] =	wrdreg s24  }
0xaf: {  	[dreg:$0x3] =	wrdreg s2  }
0xb0: {  	[dreg:$0x4] =	wrdreg $0xB8000  }
0xb1: {  	[dreg:$0x5] =	wrdreg $0x9  }
0xb2: {  	_ =	task.clear_ibuf [dreg:s7], $0x6FFFF;
	_ =	strace $0x90000049  }
0xb3: {  	s29 =	simm.s32 $0x9;
	_ =	strace $0x8000004B  }
0xb4: {  	_ =	swait.ge [sflag:s29], $0x1  }
0xb5: {  	[sflag:s29] =	ssyncadd.s32 $0xFFFFFFFF  }
0xb6: {  	_ =	strace $0x9000004B  }
0xb7: {  	_ =	sfence  }
0xb8: {  	s30 =	sld [smem:$0x0];
	_ =	sdelay $0x2  }
0xb9: {  	s31 =	sshll.u32 s1, $0xD;
	s1 =	sshrl.u32 s1, $0x2  }
0xba: {  	s3 =	sand.u32 $0x4000, s31;
	s1 =	sadd.s32 s1, s30  }
0xbb: {  	s0 =	sor.u32 s3, s0;
	s1 =	sshll.u32 s1, $0x11  }
0xbc: {  	s0 =	sor.u32 s1, s0  }
0xbd: {  	s0 =	sadd.s32 $0x8F2B, s0  }
0xbe: {  	[sflag:s0] =	ssyncadd.remote.s32 $0x1  }
0xbf: {  	_ =	sfence.sel $0xFFFF  }
0xc0: {  	[dreg:$0x0] =	wrdreg $0xFFFFFFFF;
	(pc) =	sbr.abs _section_cstart, $3  }
0xc1: {  	[dreg:$0x1] =	wrdreg $0xFFFFFFFF  }
0xc2: {  	_ =	task.clear_ibuf [dreg:s7], $0x2FFFF;
	_ =	strace $0x9FFFFFFF  }
0xc3: {  	(tm) =	ssettm $0x7FFFFFFF  }
tec
execute0_lowered:
.L_overlay_start_1:
0x0: {  	(tag) =	ssettag $0x1  }
0x1: {  	s5 =	rddreg [dreg:$0x0]  }
0x2: {  	s0 =	srdreg.scid;
	s8 =	rddreg [dreg:$0x1]  }
0x3: {  	s2 =	rddreg [dreg:$0x2];
	s3 =	simm.s32 $0x0;
	s15 =	simm.s32 $0x80  }
0x4: {  	s16 =	simm.s32 $0x7000;
	s17 =	simm.s32 $0x1;
	s6 =	sand.u32 $0x1, s0  }
0x5: {  	s0 =	stileid.u32;
	[smem:$0x7FF] =	sst s3;
	s11 =	sadd.s32 $0x69A00, s5  }
0x6: {  	s18 =	sadd.s32 $0x128400, s2;
	s1 =	sshll.u32 s6, $0x4;
	s12 =	smul.u32 $0x4F000, s0  }
0x7: {  	s7 =	ssub.s32 $0x2, s6;
	p0 =	seq.s32 s6, $0x0;
	s14 =	smul.u32 $0x138800, s6  }
0x8: {  	s31 =	smul.u32 $0x13C00, s0;
	s4 =	sor.u32 s0, s1;
	s1 =	rddreg [dreg:$0x3]  }
0x9: {  	_ =	strace $0x8000004A;
	s13 =	sshrl.u32 s7, $0x1;
	s9 =	smul.u32 $0x700, s4  }
0xa: {  	s4 =	sadd.s32 $0x42800, s5;
	s30 =	sshrl.u32 s12, $0x2;
	s13 =	ssub.s32 s7, s13  }
0xb: {  	s12 =	sadd.s32 s31, s14;
	s14 =	sshrl.u32 s14, $0x3;
	s6 =	sadd.s32 s30, s2  }
0xc: {  	s12 =	sshrl.u32 s12, $0x3;
	s14 =	sadd.s32 s11, s14;
	s10 =	sadd.s32 s9, s5  }
0xd: {  	s5 =	simm.s32 $0x6B;
	s7 =	sadd.s32 $0x13800, s6;
	s8 =	sadd.s32 s8, s9  }
0xe: {  	s5 =	simm.s32 @!p0 $0x32;
	s9 =	sadd.s32 $0xD600, s10;
	s10 =	sadd.s32 s11, s12  }
0xf: {  	s11 =	sadd.s32 $0x25080, s14;
	s12 =	smax.u32 s13, $0x1;
	p0 =	seq.s32 s0, $0xF  }
0x10: {  	v0 =	vimm.f32 $0.0e+00;
	s13 =	simm.s32 $0xB000;
	s14 =	simm.s32 $0x2;
	s18 =	sshrl.u32 @p0 s18, $0x3  }
.LBB2_1:
0x11: {  	s19 =	simm.s32 $0x0;
	s20 =	simm.s32 $0x200  }
.LBB2_2:
0x12: {  	p1 =	sne.s32 s20, $0x1E00;
	[tilespmem:s19+$0xB070] =	vst v0  }
0x13: {  	[tilespmem:s19+$0xB000] =	vst v0  }
0x14: {  	[tilespmem:s19+$0xB010] =	vst v0  }
.Ltmp0:
0x15: {  	[tilespmem:s19+$0xB020] =	vst v0;
	(pc) =	sbr.rel @p1 .LBB2_2-.Ltmp0, $4  }
0x16: {  	[tilespmem:s19+$0xB030] =	vst v0  }
0x17: {  	[tilespmem:s19+$0xB040] =	vst v0  }
0x18: {  	[tilespmem:s19+$0xB050] =	vst v0  }
0x19: {  	[tilespmem:s19+$0xB060] =	vst v0;
	s19 =	sshra.s32 s20, $0x2;
	s20 =	sadd.s32 $0x200, s20  }
0x1a: {  	[tilespmem:s19+$0xB070] =	vst v0  }
0x1b: {  	[tilespmem:s19+$0xB000] =	vst v0  }
0x1c: {  	[tilespmem:s19+$0xB010] =	vst v0  }
0x1d: {  	[tilespmem:s19+$0xB020] =	vst v0  }
0x1e: {  	[tilespmem:s19+$0xB030] =	vst v0  }
0x1f: {  	[tilespmem:s19+$0xB040] =	vst v0  }
0x20: {  	[tilespmem:s19+$0xB050] =	vst v0  }
0x21: {  	[tilespmem:s19+$0xB060] =	vst v0;
	s31 =	sadd.s32 $0x0, s6  }
0x22: {  	[spmem:s31] =	stream.linear.scatter [tilespmem:s13], [sflag:$0x2], $0x800, $0x38;
	[tilespmem:$0x1F400] =	vst v63  }
0x23: {  	s19 =	simm.s32 $0x2000;
	_ =	swait.ge [sflag:s14], $0x800  }
.LBB2_4:
0x24: {  	s20 =	sshra.s32 s19, $0x2;
	[sflag:s14] =	ssyncset.done $0x0;
	p1 =	sne.s32 s19, $0x4C000  }
.Ltmp1:
0x25: {  	s20 =	sadd.s32 s20, s6;
	[sflag:s14] =	ssyncadd.s32 $0xFFFFF800;
	(pc) =	sbr.rel @p1 .LBB2_4-.Ltmp1, $3  }
0x26: {  	[spmem:s20] =	stream.linear.scatter [tilespmem:s13], [sflag:$0x2], $0x800, $0x38;
	[tilespmem:$0x1F400] =	vst v63  }
0x27: {  	s19 =	sadd.s32 $0x2000, s19;
	_ =	sdelay $0x1  }
0x28: {  	_ =	swait.ge [sflag:s14], $0x800  }
0x29: {  	[sflag:s14] =	ssyncset.done $0x0  }
0x2a: {  	[sflag:s14] =	ssyncadd.s32 $0xFFFFF800  }
0x2b: {  	[spmem:s7] =	stream.linear.scatter [tilespmem:s13], [sflag:$0x2], $0x400, $0x38;
	[tilespmem:$0x1F400] =	vst v63  }
0x2c: {  	_ =	swait.ge [sflag:s14], $0x400  }
0x2d: {  	[sflag:s14] =	ssyncset.done $0x0  }
0x2e: {  	[sflag:s14] =	ssyncadd.s32 $0xFFFFFC00  }
0x2f: {  	s19 =	simm.s32 $0x0;
	[bflag:$0x0] =	sbarrier.arrive $0xFFFF  }
0x30: {  	[tilespmem:s19], [sflag:$0x2] =	stream.linear.gather [hbm4b:s8+s19], $0x3580, $0x38;
	[tilespmem:$0x1F400] =	vst v63  }
0x31: {  	_ =	swait.ge [sflag:s14], $0x3580  }
0x32: {  	[sflag:s14] =	ssyncset.done $0x0  }
0x33: {  	s20 =	simm.s32 $0x3800;
	[sflag:s14] =	ssyncadd.s32 $0xFFFFCA80  }
0x34: {  	[tilespmem:s20], [sflag:$0x2] =	stream.linear.gather [hbm4b:s9+s19], $0x3580, $0x38;
	[tilespmem:$0x1F400] =	vst v63  }
0x35: {  	_ =	swait.ge [sflag:s14], $0x3580  }
0x36: {  	[sflag:s14] =	ssyncset.done $0x0  }
0x37: {  	[sflag:s14] =	ssyncadd.s32 $0xFFFFCA80  }
0x38: {  	[tilespmem:s16], [sflag:$0x1] =	stream.indirect.gather [hbm4b:s4+s15], $0x80, s19, s15, $0xb8;
	[tilespmem:$0x1F400] =	vst v63  }
0x39: {  	p1 =	sne.s32 s5, $0x1;
	_ =	swait.ge [sflag:s17], $0x4000  }
.Ltmp2:
0x3a: {  	[sflag:s17] =	ssyncset.done $0x0;
	(pc) =	sbr.rel @!p1 .LBB2_7-.Ltmp2, $4  }
0x3b: {  	[sflag:s17] =	ssyncadd.s32 $0xFFFFC000  }
0x3c: {  	[spmem:s2] =	stream.indirect.scatter.add.f32 [tilespmem:s16], [sflag:$0x2], $0x80, s20, s15, $0xb8;
	[tilespmem:$0x1F400] =	vst v63  }
0x3d: {  	_ =	swait.ge [sflag:s14], $0x4000  }
0x3e: {  	s21 =	sadd.s32 $0xFFFFFFFF, s5;
	[sflag:s14] =	ssyncset.done $0x0  }
.LBB2_6:
0x3f: {  	[sflag:s14] =	ssyncadd.s32 $0xFFFFC000;
	s19 =	sadd.s32 $0x80, s19;
	s20 =	sadd.s32 $0x80, s20  }
0x40: {  	[tilespmem:s16], [sflag:$0x1] =	stream.indirect.gather [hbm4b:s4+s15], $0x80, s19, s15, $0xb8;
	[tilespmem:$0x1F400] =	vst v63  }
0x41: {  	p1 =	sne.s32 s21, $0x1;
	s21 =	sadd.s32 $0xFFFFFFFF, s21;
	_ =	swait.ge [sflag:s17], $0x4000  }
.Ltmp3:
0x42: {  	[sflag:s17] =	ssyncset.done $0x0;
	(pc) =	sbr.rel @p1 .LBB2_6-.Ltmp3, $4  }
0x43: {  	[sflag:s17] =	ssyncadd.s32 $0xFFFFC000  }
0x44: {  	[spmem:s2] =	stream.indirect.scatter.add.f32 [tilespmem:s16], [sflag:$0x2], $0x80, s20, s15, $0xb8;
	[tilespmem:$0x1F400] =	vst v63  }
0x45: {  	_ =	swait.ge [sflag:s14], $0x4000  }
0x46: {  	[sflag:s14] =	ssyncset.done $0x0  }
.LBB2_7:
0x47: {  	[sflag:s14] =	ssyncadd.s32 $0xFFFFC000  }
0x48: {  	s19 =	simm.s32 @p0 $0x1FC2;
	[bflag:$0x0] =	sbarrier.arrive $0xFFFF  }
0x49: {  	[hbm:s11], [sflag:s19] =	dma.local @p0 [spmem:s18], $0x2080  }
0x4a: {  	s19 =	simm.s32 @p0 $0x2  }
0x4b: {  	s3 =	sadd.s32 $0x1, s3;
	_ =	swait.ge @p0 [sflag:s19], $0x2080  }
0x4c: {  	s20 =	sshll.u32 @!p0 s0, $0x6;
	p1 =	sne.s32 s3, s12;
	[sflag:s19] =	ssyncset.done @p0 $0x0  }
0x4d: {  	[sflag:s19] =	ssyncadd.s32 @p0 $0xFFFFDF80;
	s19 =	sor.u32 @!p0 $0x1C02, s20;
	s20 =	sshrl.u32 @!p0 s6, $0x3  }
0x4e: {  	[hbm:s10], [sflag:s19] =	dma.local @!p0 [spmem:s20], $0x2780  }
.Ltmp4:
0x4f: {  	_ = 	snop;
	(pc) =	sbr.rel @p1 .LBB2_1-.Ltmp4, $4  }
0x50: {  	s19 =	simm.s32 @!p0 $0x2  }
0x51: {  	_ =	swait.ge @!p0 [sflag:s19], $0x2780  }
0x52: {  	[sflag:s19] =	ssyncset.done @!p0 $0x0  }
0x53: {  	[sflag:s19] =	ssyncadd.s32 @!p0 $0xFFFFD880  }
0x54: {  	_ =	sfence.sel $0x180000  }
0x55: {  	[bflag:$0x0] =	sbarrier.arrive $0xFFFF  }
0x56: {  	p0 =	sne.s32 s0, $0x0;
	_ =	strace $0x9000004A  }
0x57: {  	s0 =	sadd.s32 @!p0 $0x100000, s1;
	[bflag:$0x2] =	sbarrier.arrive $0xFFFF  }
0x58: {  	[sflag:s0] =	ssyncadd.tile.s32 @!p0 $0x1;
	_ =	shalt  }
.Lfunc_end2:
_tile_overlayer_lowered:
.L_overlay_start_2:
0x59: {  	(tag) =	ssettag $0x2  }
0x5a: {  	s0 =	rddreg [dreg:$0x0];
	s2 =	stileid.u32  }
0x5b: {  	s1 =	rddreg [dreg:$0x1];
	p0 =	sne.s32 s2, $0x0  }
0x5c: {  	s3 =	rddreg [dreg:$0x2];
	[bflag:$0x3] =	sbarrier.arrive $0xFFFF;
	s2 =	simm.s32 @!p0 $0x1C02  }
0x5d: {  	[timem:s3], [sflag:s2] =	dma.local @!p0 [hbm:s0], s1  }
0x5e: {  	s0 =	simm.s32 @!p0 $0x2  }
0x5f: {  	_ =	swait.ge @!p0 [sflag:s0], s1  }
0x60: {  	s1 =	ssub.s32 @!p0 $0x0, s1;
	[sflag:s0] =	ssyncset.done @!p0 $0x0  }
0x61: {  	[sflag:s0] =	ssyncadd.s32 @!p0 s1  }
0x62: {  	[bflag:$0x3] =	sbarrier.arrive $0xFFFF  }
0x63: {  	_ =	shalt  }

// kernel: kernel.14.cloned.1.call-start
scs
__scs_entry_jumppad:
0x0: {  	(pc) =	sbr.rel $0x88, $3  }
0x1: {  	(tag) =	ssettag $0x0;
	lr =	simm.s32 $0x1  }
0x2: {  	[smem:$0x3F99] =	sst lr;
	_ =	strace $0xD0000000  }
0x3: {  	_ = 	snop  }
0x4: {  	_ = 	snop  }
0x5: {  	_ = 	snop  }
0x6: {  	_ = 	snop  }
0x7: {  	_ = 	snop  }
__scs_overlays_trampoline_lowered:
0x8: {  	[smem:$0x3FA8] =	sst s0  }
0x9: {  	[smem:$0x3FA9] =	sst s1  }
0xa: {  	[smem:$0x3FAA] =	sst s2  }
0xb: {  	[smem:$0x3FAB] =	sst s3  }
0xc: {  	[smem:$0x3FAC] =	sst s4  }
0xd: {  	[smem:$0x3FAD] =	sst s5  }
0xe: {  	[smem:$0x3FAE] =	sst s6  }
0xf: {  	[smem:$0x3FAF] =	sst s7  }
0x10: {  	[smem:$0x3FB0] =	sst s8  }
0x11: {  	[smem:$0x3FB1] =	sst s9;
	s0 =	simm.s32 @!p0 $0x0  }
0x12: {  	s1 =	sld [smem:$0x3F97];
	s0 =	simm.s32 @p0 $0x1  }
0x13: {  	[smem:$0x3FB2] =	sst s0;
	s0 =	simm.s32 @!p1 $0x0  }
0x14: {  	s2 =	sld [smem:$0x3F96];
	s0 =	simm.s32 @p1 $0x1  }
0x15: {  	[smem:$0x3FB3] =	sst s0;
	s0 =	simm.s32 @!p2 $0x0  }
0x16: {  	s3 =	sld [smem:$0x3FDB];
	s0 =	simm.s32 @p2 $0x1  }
0x17: {  	s4 =	simm.s32 $0x1BF5;
	[smem:$0x3FB5] =	sst s0  }
0x18: {  	s0 =	sld [smem:$0x3F98];
	_ =	swait.ge [sflag:s4], $0x0  }
0x19: {  	s7 =	sld [smem:$0x3F99]  }
0x1a: {  	s8 =	sadd.s32 $0xFFFFE003, lr  }
0x1b: {  	s9 =	sadd.s32 $0xFFFFFEF7, lr;
	s5 =	simm.s32 $0xFFFFFFFF;
	p2 =	slt.u32 s8, $0xFFFFF086  }
0x1c: {  	p1 =	slt.u32 s9, $0xF7A;
	s5 =	simm.s32 @!p2 $0x0  }
0x1d: {  	s5 =	simm.s32 @p1 $0x1;
	p0 =	seq.s32 s7, s2  }
0x1e: {  	s7 =	smul.u32 @!p0 $0xF7A, s2;
	p2 =	seq.s32 @!p0 s5, $0x0  }
0x1f: {  	s9 =	smul.u32 $0xF7A, s1;
	s8 =	simm.s32 @!p0 $0x1BF5;
	p2 =	por !p2, p0  }
0x20: {  	[sflag:s8] =	ssyncset.s32 @!p0 $0xFFFFF086;
	s6 =	sadd.s32 @!p0 s3, s7;
	s7 =	simm.s32 @!p0 $0x108  }
0x21: {  	s3 =	sadd.s32 s3, s9;
	s6 =	sadd.s32 @!p0 $0x88, s6;
	s7 =	simm.s32 @p2 $0x1082  }
0x22: {  	[simem:s7], [sflag:s8] =	dma.local @!p0 [hbm:s6], $0xF7A  }
0x23: {  	s9 =	sor.u32 $0xD0000000, s2;
	s6 =	simm.s32 $0x108;
	_ =	swait.ge @!p0 [sflag:s8], $0x0  }
0x24: {  	s3 =	sadd.s32 $0x88, s3;
	s6 =	simm.s32 @!p1 $0x1082;
	[sflag:s4] =	ssyncset.s32 $0xFFFFF086  }
0x25: {  	[simem:s6], [sflag:s4] =	dma.local [hbm:s3], $0xF7A  }
0x26: {  	[smem:$0x3F99] =	sst s1;
	(tag) =	ssettag s2;
	_ =	strace s9  }
0x27: {  	s1 =	sld [smem:$0x3FA9]  }
0x28: {  	s2 =	sld [smem:$0x3FAA]  }
0x29: {  	s4 =	sld [smem:$0x3FAC]  }
0x2a: {  	p0 =	seq.s32 s5, $0x0;
	s5 =	sld [smem:$0x3FAD]  }
0x2b: {  	s6 =	sld [smem:$0x3FAE]  }
0x2c: {  	s7 =	sld [smem:$0x3FAF]  }
0x2d: {  	s3 =	simm.s32 $0x108;
	s8 =	sld [smem:$0x3FB0]  }
0x2e: {  	s3 =	simm.s32 @!p0 $0x1082;
	s9 =	sld [smem:$0x3FB1]  }
0x2f: {  	lr =	sadd.s32 s0, s3;
	s0 =	sld [smem:$0x3FA8]  }
0x30: {  	s3 =	sld [smem:$0x3FAB]  }
0x31: {  	[smem:$0x3FB4] =	sst s10  }
0x32: {  	s10 =	sld [smem:$0x3FB2];
	_ =	sdelay $0x3  }
0x33: {  	p0 =	seq.s32 s10, $0x1;
	s10 =	sld [smem:$0x3FB4];
	_ =	sdelay $0x3  }
0x34: {  	[smem:$0x3FB4] =	sst s10  }
0x35: {  	s10 =	sld [smem:$0x3FB3];
	_ =	sdelay $0x3  }
0x36: {  	p1 =	seq.s32 s10, $0x1;
	s10 =	sld [smem:$0x3FB4];
	_ =	sdelay $0x3  }
0x37: {  	[smem:$0x3FB4] =	sst s10  }
0x38: {  	s10 =	sld [smem:$0x3FB5]  }
0x39: {  	_ = 	snop;
	(pc) =	sbr.ind lr, $3  }
0x3a: {  	_ = 	snop  }
0x3b: {  	_ = 	snop  }
0x3c: {  	p2 =	seq.s32 s10, $0x1;
	s10 =	sld [smem:$0x3FB4]  }
0x3d: {  	_ =	shalt  }
0x3e: {  	_ =	shalt  }
0x3f: {  	_ =	shalt  }
0x40: {  	_ =	shalt  }
0x41: {  	_ =	shalt  }
0x42: {  	_ =	shalt  }
0x43: {  	_ =	shalt  }
0x44: {  	_ =	shalt  }
0x45: {  	_ =	shalt  }
0x46: {  	_ =	shalt  }
0x47: {  	_ =	shalt  }
0x48: {  	_ =	shalt  }
0x49: {  	_ =	shalt  }
0x4a: {  	_ =	shalt  }
0x4b: {  	_ =	shalt  }
0x4c: {  	_ =	shalt  }
0x4d: {  	_ =	shalt  }
0x4e: {  	_ =	shalt  }
0x4f: {  	_ =	shalt  }
0x50: {  	_ =	shalt  }
0x51: {  	_ =	shalt  }
0x52: {  	_ =	shalt  }
0x53: {  	_ =	shalt  }
0x54: {  	_ =	shalt  }
0x55: {  	_ =	shalt  }
0x56: {  	_ =	shalt  }
0x57: {  	_ =	shalt  }
0x58: {  	_ =	shalt  }
0x59: {  	_ =	shalt  }
0x5a: {  	_ =	shalt  }
0x5b: {  	_ =	shalt  }
0x5c: {  	_ =	shalt  }
0x5d: {  	_ =	shalt  }
0x5e: {  	_ =	shalt  }
0x5f: {  	_ =	shalt  }
0x60: {  	_ =	shalt  }
0x61: {  	_ =	shalt  }
0x62: {  	_ =	shalt  }
0x63: {  	_ =	shalt  }
0x64: {  	_ =	shalt  }
0x65: {  	_ =	shalt  }
0x66: {  	_ =	shalt  }
0x67: {  	_ =	shalt  }
0x68: {  	_ =	shalt  }
0x69: {  	_ =	shalt  }
0x6a: {  	_ =	shalt  }
0x6b: {  	_ =	shalt  }
0x6c: {  	_ =	shalt  }
0x6d: {  	_ =	shalt  }
0x6e: {  	_ =	shalt  }
0x6f: {  	_ =	shalt  }
0x70: {  	_ =	shalt  }
0x71: {  	_ =	shalt  }
0x72: {  	_ =	shalt  }
0x73: {  	_ =	shalt  }
0x74: {  	_ =	shalt  }
0x75: {  	_ =	shalt  }
0x76: {  	_ =	shalt  }
0x77: {  	_ =	shalt  }
0x78: {  	_ =	shalt  }
0x79: {  	_ =	shalt  }
0x7a: {  	_ =	shalt  }
0x7b: {  	_ =	shalt  }
0x7c: {  	_ =	shalt  }
0x7d: {  	_ =	shalt  }
0x7e: {  	_ =	shalt  }
0x7f: {  	_ =	shalt  }
0x80: {  	_ =	shalt  }
0x81: {  	_ =	shalt  }
0x82: {  	_ =	shalt  }
0x83: {  	_ =	shalt  }
0x84: {  	_ =	shalt  }
0x85: {  	_ =	shalt  }
0x86: {  	_ =	shalt  }
0x87: {  	_ =	shalt  }
.Lfunc_end0:
.L_simem_size_0:
called_computation.2_lowered:
.L_overlay_start_0:
0x88: {  	s2 =	sld [smem:$0x3FD9]  }
0x89: {  	s3 =	sld [smem:$0x3FFE];
	_ =	sdelay $0x1  }
0x8a: {  	s1 =	srdreg.scid  }
0x8b: {  	s0 =	sand.u32 $0x1, s1  }
0x8c: {  	s17 =	sshll.u32 s0, $0xA;
	s2 =	sadd.s32 s3, s2  }
0x8d: {  	s2 =	sadd.s32 s2, s17  }
0x8e: {  	[smem:$0x3FC0] =	sst s2  }
0x8f: {  	_ = 	snop  }
0x90: {  	s2 =	sld [smem:$0x3FD0];
	(tm) =	ssettm $0x1  }
0x91: {  	s18 =	sld [smem:$0x3FFB];
	_ =	sdelay $0x3  }
0x92: {  	_ =	strace s18  }
0x93: {  	s3 =	sld [smem:$0x3FFC];
	_ =	sdelay $0x3  }
0x94: {  	_ =	strace s3  }
0x95: {  	s3 =	sld [smem:$0x3FFD];
	_ =	sdelay $0x3  }
0x96: {  	_ =	strace s3  }
0x97: {  	_ =	strace $0x8FFFFFFF  }
0x98: {  	s19 =	sld [smem:$0x3FDB];
	_ =	sdelay $0x1  }
0x99: {  	s4 =	simm.s32 $_scs_section_size  }
0x9a: {  	s5 =	simm.s32 $_size__tile_overlayer_lowered;
	s6 =	simm.s32 $_tile_overlayer_lowered  }
0x9b: {  	s22 =	simm.s32 $0x1BFF;
	s21 =	sshll.u32 s6, $0x1;
	s3 =	sadd.s32 s4, s19  }
0x9c: {  	s7 =	simm.s32 $0x0;
	s20 =	sshll.u32 s5, $0x1;
	s5 =	sadd.s32 s21, s3  }
0x9d: {  	[timem:s7], [sflag:s22] =	dma.local [hbm:s5], s20  }
0x9e: {  	_ =	swait.ge [sflag:s22], s20  }
0x9f: {  	s4 =	ssub.s32 $0x0, s20;
	[sflag:s22] =	ssyncset.done $0x0  }
0xa0: {  	[sflag:s22] =	ssyncadd.s32 s4;
	_ =	sdelay $0x1  }
0xa1: {  	s23 =	simm.s32 $0x1B8B  }
0xa2: {  	_ =	swait.ge [sflag:s23], $0x1  }
0xa3: {  	[sflag:s23] =	ssyncset.done $0x0  }
0xa4: {  	s25 =	simm.s32 $0x1B8E;
	s24 =	sld [smem:$0x3FFE];
	[sflag:s23] =	ssyncadd.s32 $0xFFFFFFFF  }
0xa5: {  	s26 =	simm.s32 $execute0_lowered;
	[smem:$0x3FD2] =	sst s25  }
0xa6: {  	s5 =	sshll.u32 s26, $0x1;
	_ =	strace $0x8000004C;
	[dreg:$0x1] =	wrdreg $0xFFFFFFFF  }
0xa7: {  	s28 =	simm.s32 $_size_execute0_lowered;
	s3 =	sadd.s32 s3, s5;
	[dreg:$0x0] =	wrdreg $0x0  }
0xa8: {  	s5 =	sshll.u32 s28, $0x1;
	[dreg:$0x2] =	wrdreg s3  }
0xa9: {  	[dreg:$0x3] =	wrdreg s5  }
0xaa: {  	[dreg:$0x4] =	wrdreg $0xC0  }
0xab: {  	_ =	task [dreg:s7], $0x5FFFF  }
0xac: {  	[dreg:$0x1] =	wrdreg $0xFFFFFFFF  }
0xad: {  	[dreg:$0x0] =	wrdreg $0x60  }
0xae: {  	[dreg:$0x2] =	wrdreg s24  }
0xaf: {  	[dreg:$0x3] =	wrdreg s2  }
0xb0: {  	[dreg:$0x4] =	wrdreg $0xB8000  }
0xb1: {  	[dreg:$0x5] =	wrdreg $0x9  }
0xb2: {  	_ =	task.clear_ibuf [dreg:s7], $0x6FFFF;
	_ =	strace $0x9000004C  }
0xb3: {  	s29 =	simm.s32 $0x9;
	_ =	strace $0x8000004E  }
0xb4: {  	_ =	swait.ge [sflag:s29], $0x1  }
0xb5: {  	[sflag:s29] =	ssyncadd.s32 $0xFFFFFFFF  }
0xb6: {  	_ =	strace $0x9000004E  }
0xb7: {  	_ =	sfence  }
0xb8: {  	s30 =	sld [smem:$0x0];
	_ =	sdelay $0x2  }
0xb9: {  	s31 =	sshll.u32 s1, $0xD;
	s1 =	sshrl.u32 s1, $0x2  }
0xba: {  	s3 =	sand.u32 $0x4000, s31;
	s1 =	sadd.s32 s1, s30  }
0xbb: {  	s0 =	sor.u32 s3, s0;
	s1 =	sshll.u32 s1, $0x11  }
0xbc: {  	s0 =	sor.u32 s1, s0  }
0xbd: {  	s0 =	sadd.s32 $0x8F2B, s0  }
0xbe: {  	[sflag:s0] =	ssyncadd.remote.s32 $0x1  }
0xbf: {  	_ =	sfence.sel $0xFFFF  }
0xc0: {  	[dreg:$0x0] =	wrdreg $0xFFFFFFFF;
	(pc) =	sbr.abs _section_cstart, $3  }
0xc1: {  	[dreg:$0x1] =	wrdreg $0xFFFFFFFF  }
0xc2: {  	_ =	task.clear_ibuf [dreg:s7], $0x2FFFF;
	_ =	strace $0x9FFFFFFF  }
0xc3: {  	(tm) =	ssettm $0x7FFFFFFF  }
tec
execute0_lowered:
.L_overlay_start_1:
0x0: {  	(tag) =	ssettag $0x1  }
0x1: {  	s5 =	rddreg [dreg:$0x0]  }
0x2: {  	s0 =	srdreg.scid;
	s8 =	rddreg [dreg:$0x1]  }
0x3: {  	s2 =	rddreg [dreg:$0x2];
	s3 =	simm.s32 $0x0;
	s15 =	simm.s32 $0x80  }
0x4: {  	s16 =	simm.s32 $0x7000;
	s17 =	simm.s32 $0x1;
	s6 =	sand.u32 $0x1, s0  }
0x5: {  	s0 =	stileid.u32;
	[smem:$0x7FF] =	sst s3;
	s11 =	sadd.s32 $0x69A00, s5  }
0x6: {  	s18 =	sadd.s32 $0x128400, s2;
	s1 =	sshll.u32 s6, $0x4;
	s12 =	smul.u32 $0x4F000, s0  }
0x7: {  	s7 =	ssub.s32 $0x2, s6;
	p0 =	seq.s32 s6, $0x0;
	s14 =	smul.u32 $0x138800, s6  }
0x8: {  	s31 =	smul.u32 $0x13C00, s0;
	s4 =	sor.u32 s0, s1;
	s1 =	rddreg [dreg:$0x3]  }
0x9: {  	_ =	strace $0x8000004D;
	s13 =	sshrl.u32 s7, $0x1;
	s9 =	smul.u32 $0x700, s4  }
0xa: {  	s4 =	sadd.s32 $0x42800, s5;
	s30 =	sshrl.u32 s12, $0x2;
	s13 =	ssub.s32 s7, s13  }
0xb: {  	s12 =	sadd.s32 s31, s14;
	s14 =	sshrl.u32 s14, $0x3;
	s6 =	sadd.s32 s30, s2  }
0xc: {  	s12 =	sshrl.u32 s12, $0x3;
	s14 =	sadd.s32 s11, s14;
	s10 =	sadd.s32 s9, s5  }
0xd: {  	s5 =	simm.s32 $0x6B;
	s7 =	sadd.s32 $0x13800, s6;
	s8 =	sadd.s32 s8, s9  }
0xe: {  	s5 =	simm.s32 @!p0 $0x32;
	s9 =	sadd.s32 $0xD600, s10;
	s10 =	sadd.s32 s11, s12  }
0xf: {  	s11 =	sadd.s32 $0x25080, s14;
	s12 =	smax.u32 s13, $0x1;
	p0 =	seq.s32 s0, $0xF  }
0x10: {  	v0 =	vimm.f32 $0.0e+00;
	s13 =	simm.s32 $0xB000;
	s14 =	simm.s32 $0x2;
	s18 =	sshrl.u32 @p0 s18, $0x3  }
.LBB2_1:
0x11: {  	s19 =	simm.s32 $0x0;
	s20 =	simm.s32 $0x200  }
.LBB2_2:
0x12: {  	p1 =	sne.s32 s20, $0x1E00;
	[tilespmem:s19+$0xB070] =	vst v0  }
0x13: {  	[tilespmem:s19+$0xB000] =	vst v0  }
0x14: {  	[tilespmem:s19+$0xB010] =	vst v0  }
.Ltmp0:
0x15: {  	[tilespmem:s19+$0xB020] =	vst v0;
	(pc) =	sbr.rel @p1 .LBB2_2-.Ltmp0, $4  }
0x16: {  	[tilespmem:s19+$0xB030] =	vst v0  }
0x17: {  	[tilespmem:s19+$0xB040] =	vst v0  }
0x18: {  	[tilespmem:s19+$0xB050] =	vst v0  }
0x19: {  	[tilespmem:s19+$0xB060] =	vst v0;
	s19 =	sshra.s32 s20, $0x2;
	s20 =	sadd.s32 $0x200, s20  }
0x1a: {  	[tilespmem:s19+$0xB070] =	vst v0  }
0x1b: {  	[tilespmem:s19+$0xB000] =	vst v0  }
0x1c: {  	[tilespmem:s19+$0xB010] =	vst v0  }
0x1d: {  	[tilespmem:s19+$0xB020] =	vst v0  }
0x1e: {  	[tilespmem:s19+$0xB030] =	vst v0  }
0x1f: {  	[tilespmem:s19+$0xB040] =	vst v0  }
0x20: {  	[tilespmem:s19+$0xB050] =	vst v0  }
0x21: {  	[tilespmem:s19+$0xB060] =	vst v0;
	s31 =	sadd.s32 $0x0, s6  }
0x22: {  	[spmem:s31] =	stream.linear.scatter [tilespmem:s13], [sflag:$0x2], $0x800, $0x38;
	[tilespmem:$0x1F400] =	vst v63  }
0x23: {  	s19 =	simm.s32 $0x2000;
	_ =	swait.ge [sflag:s14], $0x800  }
.LBB2_4:
0x24: {  	s20 =	sshra.s32 s19, $0x2;
	[sflag:s14] =	ssyncset.done $0x0;
	p1 =	sne.s32 s19, $0x4C000  }
.Ltmp1:
0x25: {  	s20 =	sadd.s32 s20, s6;
	[sflag:s14] =	ssyncadd.s32 $0xFFFFF800;
	(pc) =	sbr.rel @p1 .LBB2_4-.Ltmp1, $3  }
0x26: {  	[spmem:s20] =	stream.linear.scatter [tilespmem:s13], [sflag:$0x2], $0x800, $0x38;
	[tilespmem:$0x1F400] =	vst v63  }
0x27: {  	s19 =	sadd.s32 $0x2000, s19;
	_ =	sdelay $0x1  }
0x28: {  	_ =	swait.ge [sflag:s14], $0x800  }
0x29: {  	[sflag:s14] =	ssyncset.done $0x0  }
0x2a: {  	[sflag:s14] =	ssyncadd.s32 $0xFFFFF800  }
0x2b: {  	[spmem:s7] =	stream.linear.scatter [tilespmem:s13], [sflag:$0x2], $0x400, $0x38;
	[tilespmem:$0x1F400] =	vst v63  }
0x2c: {  	_ =	swait.ge [sflag:s14], $0x400  }
0x2d: {  	[sflag:s14] =	ssyncset.done $0x0  }
0x2e: {  	[sflag:s14] =	ssyncadd.s32 $0xFFFFFC00  }
0x2f: {  	s19 =	simm.s32 $0x0;
	[bflag:$0x0] =	sbarrier.arrive $0xFFFF  }
0x30: {  	[tilespmem:s19], [sflag:$0x2] =	stream.linear.gather [hbm4b:s8+s19], $0x3580, $0x38;
	[tilespmem:$0x1F400] =	vst v63  }
0x31: {  	_ =	swait.ge [sflag:s14], $0x3580  }
0x32: {  	[sflag:s14] =	ssyncset.done $0x0  }
0x33: {  	s20 =	simm.s32 $0x3800;
	[sflag:s14] =	ssyncadd.s32 $0xFFFFCA80  }
0x34: {  	[tilespmem:s20], [sflag:$0x2] =	stream.linear.gather [hbm4b:s9+s19], $0x3580, $0x38;
	[tilespmem:$0x1F400] =	vst v63  }
0x35: {  	_ =	swait.ge [sflag:s14], $0x3580  }
0x36: {  	[sflag:s14] =	ssyncset.done $0x0  }
0x37: {  	[sflag:s14] =	ssyncadd.s32 $0xFFFFCA80  }
0x38: {  	[tilespmem:s16], [sflag:$0x1] =	stream.indirect.gather [hbm4b:s4+s15], $0x80, s19, s15, $0xb8;
	[tilespmem:$0x1F400] =	vst v63  }
0x39: {  	p1 =	sne.s32 s5, $0x1;
	_ =	swait.ge [sflag:s17], $0x4000  }
.Ltmp2:
0x3a: {  	[sflag:s17] =	ssyncset.done $0x0;
	(pc) =	sbr.rel @!p1 .LBB2_7-.Ltmp2, $4  }
0x3b: {  	[sflag:s17] =	ssyncadd.s32 $0xFFFFC000  }
0x3c: {  	[spmem:s2] =	stream.indirect.scatter.add.f32 [tilespmem:s16], [sflag:$0x2], $0x80, s20, s15, $0xb8;
	[tilespmem:$0x1F400] =	vst v63  }
0x3d: {  	_ =	swait.ge [sflag:s14], $0x4000  }
0x3e: {  	s21 =	sadd.s32 $0xFFFFFFFF, s5;
	[sflag:s14] =	ssyncset.done $0x0  }
.LBB2_6:
0x3f: {  	[sflag:s14] =	ssyncadd.s32 $0xFFFFC000;
	s19 =	sadd.s32 $0x80, s19;
	s20 =	sadd.s32 $0x80, s20  }
0x40: {  	[tilespmem:s16], [sflag:$0x1] =	stream.indirect.gather [hbm4b:s4+s15], $0x80, s19, s15, $0xb8;
	[tilespmem:$0x1F400] =	vst v63  }
0x41: {  	p1 =	sne.s32 s21, $0x1;
	s21 =	sadd.s32 $0xFFFFFFFF, s21;
	_ =	swait.ge [sflag:s17], $0x4000  }
.Ltmp3:
0x42: {  	[sflag:s17] =	ssyncset.done $0x0;
	(pc) =	sbr.rel @p1 .LBB2_6-.Ltmp3, $4  }
0x43: {  	[sflag:s17] =	ssyncadd.s32 $0xFFFFC000  }
0x44: {  	[spmem:s2] =	stream.indirect.scatter.add.f32 [tilespmem:s16], [sflag:$0x2], $0x80, s20, s15, $0xb8;
	[tilespmem:$0x1F400] =	vst v63  }
0x45: {  	_ =	swait.ge [sflag:s14], $0x4000  }
0x46: {  	[sflag:s14] =	ssyncset.done $0x0  }
.LBB2_7:
0x47: {  	[sflag:s14] =	ssyncadd.s32 $0xFFFFC000  }
0x48: {  	s19 =	simm.s32 @p0 $0x1FC2;
	[bflag:$0x0] =	sbarrier.arrive $0xFFFF  }
0x49: {  	[hbm:s11], [sflag:s19] =	dma.local @p0 [spmem:s18], $0x2080  }
0x4a: {  	s19 =	simm.s32 @p0 $0x2  }
0x4b: {  	s3 =	sadd.s32 $0x1, s3;
	_ =	swait.ge @p0 [sflag:s19], $0x2080  }
0x4c: {  	s20 =	sshll.u32 @!p0 s0, $0x6;
	p1 =	sne.s32 s3, s12;
	[sflag:s19] =	ssyncset.done @p0 $0x0  }
0x4d: {  	[sflag:s19] =	ssyncadd.s32 @p0 $0xFFFFDF80;
	s19 =	sor.u32 @!p0 $0x1C02, s20;
	s20 =	sshrl.u32 @!p0 s6, $0x3  }
0x4e: {  	[hbm:s10], [sflag:s19] =	dma.local @!p0 [spmem:s20], $0x2780  }
.Ltmp4:
0x4f: {  	_ = 	snop;
	(pc) =	sbr.rel @p1 .LBB2_1-.Ltmp4, $4  }
0x50: {  	s19 =	simm.s32 @!p0 $0x2  }
0x51: {  	_ =	swait.ge @!p0 [sflag:s19], $0x2780  }
0x52: {  	[sflag:s19] =	ssyncset.done @!p0 $0x0  }
0x53: {  	[sflag:s19] =	ssyncadd.s32 @!p0 $0xFFFFD880  }
0x54: {  	_ =	sfence.sel $0x180000  }
0x55: {  	[bflag:$0x0] =	sbarrier.arrive $0xFFFF  }
0x56: {  	p0 =	sne.s32 s0, $0x0;
	_ =	strace $0x9000004D  }
0x57: {  	s0 =	sadd.s32 @!p0 $0x100000, s1;
	[bflag:$0x2] =	sbarrier.arrive $0xFFFF  }
0x58: {  	[sflag:s0] =	ssyncadd.tile.s32 @!p0 $0x1;
	_ =	shalt  }
.Lfunc_end2:
_tile_overlayer_lowered:
.L_overlay_start_2:
0x59: {  	(tag) =	ssettag $0x2  }
0x5a: {  	s0 =	rddreg [dreg:$0x0];
	s2 =	stileid.u32  }
0x5b: {  	s1 =	rddreg [dreg:$0x1];
	p0 =	sne.s32 s2, $0x0  }
0x5c: {  	s3 =	rddreg [dreg:$0x2];
	[bflag:$0x3] =	sbarrier.arrive $0xFFFF;
	s2 =	simm.s32 @!p0 $0x1C02  }
0x5d: {  	[timem:s3], [sflag:s2] =	dma.local @!p0 [hbm:s0], s1  }
0x5e: {  	s0 =	simm.s32 @!p0 $0x2  }
0x5f: {  	_ =	swait.ge @!p0 [sflag:s0], s1  }
0x60: {  	s1 =	ssub.s32 @!p0 $0x0, s1;
	[sflag:s0] =	ssyncset.done @!p0 $0x0  }
0x61: {  	[sflag:s0] =	ssyncadd.s32 @!p0 s1  }
0x62: {  	[bflag:$0x3] =	sbarrier.arrive $0xFFFF  }
0x63: {  	_ =	shalt  }

// kernel: kernel.8.cloned.1.call-start
scs
__scs_entry_jumppad:
0x0: {  	(pc) =	sbr.rel $0x88, $3  }
0x1: {  	(tag) =	ssettag $0x0;
	lr =	simm.s32 $0x1  }
0x2: {  	[smem:$0x3F99] =	sst lr;
	_ =	strace $0xD0000000  }
0x3: {  	_ = 	snop  }
0x4: {  	_ = 	snop  }
0x5: {  	_ = 	snop  }
0x6: {  	_ = 	snop  }
0x7: {  	_ = 	snop  }
__scs_overlays_trampoline_lowered:
0x8: {  	[smem:$0x3FA8] =	sst s0  }
0x9: {  	[smem:$0x3FA9] =	sst s1  }
0xa: {  	[smem:$0x3FAA] =	sst s2  }
0xb: {  	[smem:$0x3FAB] =	sst s3  }
0xc: {  	[smem:$0x3FAC] =	sst s4  }
0xd: {  	[smem:$0x3FAD] =	sst s5  }
0xe: {  	[smem:$0x3FAE] =	sst s6  }
0xf: {  	[smem:$0x3FAF] =	sst s7  }
0x10: {  	[smem:$0x3FB0] =	sst s8  }
0x11: {  	[smem:$0x3FB1] =	sst s9;
	s0 =	simm.s32 @!p0 $0x0  }
0x12: {  	s1 =	sld [smem:$0x3F97];
	s0 =	simm.s32 @p0 $0x1  }
0x13: {  	[smem:$0x3FB2] =	sst s0;
	s0 =	simm.s32 @!p1 $0x0  }
0x14: {  	s2 =	sld [smem:$0x3F96];
	s0 =	simm.s32 @p1 $0x1  }
0x15: {  	[smem:$0x3FB3] =	sst s0;
	s0 =	simm.s32 @!p2 $0x0  }
0x16: {  	s3 =	sld [smem:$0x3FDB];
	s0 =	simm.s32 @p2 $0x1  }
0x17: {  	s4 =	simm.s32 $0x1BF5;
	[smem:$0x3FB5] =	sst s0  }
0x18: {  	s0 =	sld [smem:$0x3F98];
	_ =	swait.ge [sflag:s4], $0x0  }
0x19: {  	s7 =	sld [smem:$0x3F99]  }
0x1a: {  	s8 =	sadd.s32 $0xFFFFE003, lr  }
0x1b: {  	s9 =	sadd.s32 $0xFFFFFEF7, lr;
	s5 =	simm.s32 $0xFFFFFFFF;
	p2 =	slt.u32 s8, $0xFFFFF086  }
0x1c: {  	p1 =	slt.u32 s9, $0xF7A;
	s5 =	simm.s32 @!p2 $0x0  }
0x1d: {  	s5 =	simm.s32 @p1 $0x1;
	p0 =	seq.s32 s7, s2  }
0x1e: {  	s7 =	smul.u32 @!p0 $0xF7A, s2;
	p2 =	seq.s32 @!p0 s5, $0x0  }
0x1f: {  	s9 =	smul.u32 $0xF7A, s1;
	s8 =	simm.s32 @!p0 $0x1BF5;
	p2 =	por !p2, p0  }
0x20: {  	[sflag:s8] =	ssyncset.s32 @!p0 $0xFFFFF086;
	s6 =	sadd.s32 @!p0 s3, s7;
	s7 =	simm.s32 @!p0 $0x108  }
0x21: {  	s3 =	sadd.s32 s3, s9;
	s6 =	sadd.s32 @!p0 $0x88, s6;
	s7 =	simm.s32 @p2 $0x1082  }
0x22: {  	[simem:s7], [sflag:s8] =	dma.local @!p0 [hbm:s6], $0xF7A  }
0x23: {  	s9 =	sor.u32 $0xD0000000, s2;
	s6 =	simm.s32 $0x108;
	_ =	swait.ge @!p0 [sflag:s8], $0x0  }
0x24: {  	s3 =	sadd.s32 $0x88, s3;
	s6 =	simm.s32 @!p1 $0x1082;
	[sflag:s4] =	ssyncset.s32 $0xFFFFF086  }
0x25: {  	[simem:s6], [sflag:s4] =	dma.local [hbm:s3], $0xF7A  }
0x26: {  	[smem:$0x3F99] =	sst s1;
	(tag) =	ssettag s2;
	_ =	strace s9  }
0x27: {  	s1 =	sld [smem:$0x3FA9]  }
0x28: {  	s2 =	sld [smem:$0x3FAA]  }
0x29: {  	s4 =	sld [smem:$0x3FAC]  }
0x2a: {  	p0 =	seq.s32 s5, $0x0;
	s5 =	sld [smem:$0x3FAD]  }
0x2b: {  	s6 =	sld [smem:$0x3FAE]  }
0x2c: {  	s7 =	sld [smem:$0x3FAF]  }
0x2d: {  	s3 =	simm.s32 $0x108;
	s8 =	sld [smem:$0x3FB0]  }
0x2e: {  	s3 =	simm.s32 @!p0 $0x1082;
	s9 =	sld [smem:$0x3FB1]  }
0x2f: {  	lr =	sadd.s32 s0, s3;
	s0 =	sld [smem:$0x3FA8]  }
0x30: {  	s3 =	sld [smem:$0x3FAB]  }
0x31: {  	[smem:$0x3FB4] =	sst s10  }
0x32: {  	s10 =	sld [smem:$0x3FB2];
	_ =	sdelay $0x3  }
0x33: {  	p0 =	seq.s32 s10, $0x1;
	s10 =	sld [smem:$0x3FB4];
	_ =	sdelay $0x3  }
0x34: {  	[smem:$0x3FB4] =	sst s10  }
0x35: {  	s10 =	sld [smem:$0x3FB3];
	_ =	sdelay $0x3  }
0x36: {  	p1 =	seq.s32 s10, $0x1;
	s10 =	sld [smem:$0x3FB4];
	_ =	sdelay $0x3  }
0x37: {  	[smem:$0x3FB4] =	sst s10  }
0x38: {  	s10 =	sld [smem:$0x3FB5]  }
0x39: {  	_ = 	snop;
	(pc) =	sbr.ind lr, $3  }
0x3a: {  	_ = 	snop  }
0x3b: {  	_ = 	snop  }
0x3c: {  	p2 =	seq.s32 s10, $0x1;
	s10 =	sld [smem:$0x3FB4]  }
0x3d: {  	_ =	shalt  }
0x3e: {  	_ =	shalt  }
0x3f: {  	_ =	shalt  }
0x40: {  	_ =	shalt  }
0x41: {  	_ =	shalt  }
0x42: {  	_ =	shalt  }
0x43: {  	_ =	shalt  }
0x44: {  	_ =	shalt  }
0x45: {  	_ =	shalt  }
0x46: {  	_ =	shalt  }
0x47: {  	_ =	shalt  }
0x48: {  	_ =	shalt  }
0x49: {  	_ =	shalt  }
0x4a: {  	_ =	shalt  }
0x4b: {  	_ =	shalt  }
0x4c: {  	_ =	shalt  }
0x4d: {  	_ =	shalt  }
0x4e: {  	_ =	shalt  }
0x4f: {  	_ =	shalt  }
0x50: {  	_ =	shalt  }
0x51: {  	_ =	shalt  }
0x52: {  	_ =	shalt  }
0x53: {  	_ =	shalt  }
0x54: {  	_ =	shalt  }
0x55: {  	_ =	shalt  }
0x56: {  	_ =	shalt  }
0x57: {  	_ =	shalt  }
0x58: {  	_ =	shalt  }
0x59: {  	_ =	shalt  }
0x5a: {  	_ =	shalt  }
0x5b: {  	_ =	shalt  }
0x5c: {  	_ =	shalt  }
0x5d: {  	_ =	shalt  }
0x5e: {  	_ =	shalt  }
0x5f: {  	_ =	shalt  }
0x60: {  	_ =	shalt  }
0x61: {  	_ =	shalt  }
0x62: {  	_ =	shalt  }
0x63: {  	_ =	shalt  }
0x64: {  	_ =	shalt  }
0x65: {  	_ =	shalt  }
0x66: {  	_ =	shalt  }
0x67: {  	_ =	shalt  }
0x68: {  	_ =	shalt  }
0x69: {  	_ =	shalt  }
0x6a: {  	_ =	shalt  }
0x6b: {  	_ =	shalt  }
0x6c: {  	_ =	shalt  }
0x6d: {  	_ =	shalt  }
0x6e: {  	_ =	shalt  }
0x6f: {  	_ =	shalt  }
0x70: {  	_ =	shalt  }
0x71: {  	_ =	shalt  }
0x72: {  	_ =	shalt  }
0x73: {  	_ =	shalt  }
0x74: {  	_ =	shalt  }
0x75: {  	_ =	shalt  }
0x76: {  	_ =	shalt  }
0x77: {  	_ =	shalt  }
0x78: {  	_ =	shalt  }
0x79: {  	_ =	shalt  }
0x7a: {  	_ =	shalt  }
0x7b: {  	_ =	shalt  }
0x7c: {  	_ =	shalt  }
0x7d: {  	_ =	shalt  }
0x7e: {  	_ =	shalt  }
0x7f: {  	_ =	shalt  }
0x80: {  	_ =	shalt  }
0x81: {  	_ =	shalt  }
0x82: {  	_ =	shalt  }
0x83: {  	_ =	shalt  }
0x84: {  	_ =	shalt  }
0x85: {  	_ =	shalt  }
0x86: {  	_ =	shalt  }
0x87: {  	_ =	shalt  }
.Lfunc_end0:
.L_simem_size_0:
called_computation_lowered:
.L_overlay_start_0:
0x88: {  	s2 =	sld [smem:$0x3FD9]  }
0x89: {  	s3 =	sld [smem:$0x3FFE];
	_ =	sdelay $0x1  }
0x8a: {  	s1 =	srdreg.scid  }
0x8b: {  	s0 =	sand.u32 $0x1, s1  }
0x8c: {  	s16 =	sshll.u32 s0, $0xA;
	s2 =	sadd.s32 s3, s2  }
0x8d: {  	s2 =	sadd.s32 s2, s16  }
0x8e: {  	[smem:$0x3FC0] =	sst s2  }
0x8f: {  	_ = 	snop  }
0x90: {  	(tm) =	ssettm $0x1  }
0x91: {  	s17 =	sld [smem:$0x3FFB];
	_ =	sdelay $0x3  }
0x92: {  	_ =	strace s17  }
0x93: {  	s2 =	sld [smem:$0x3FFC];
	_ =	sdelay $0x3  }
0x94: {  	_ =	strace s2  }
0x95: {  	s2 =	sld [smem:$0x3FFD];
	_ =	sdelay $0x3  }
0x96: {  	_ =	strace s2  }
0x97: {  	_ =	strace $0x8FFFFFFF  }
0x98: {  	s18 =	sld [smem:$0x3FDB];
	_ =	sdelay $0x1  }
0x99: {  	s19 =	simm.s32 $_scs_section_size  }
0x9a: {  	s4 =	simm.s32 $_size__tile_overlayer_lowered;
	s5 =	simm.s32 $_tile_overlayer_lowered  }
0x9b: {  	s22 =	simm.s32 $0x1BFF;
	s21 =	sshll.u32 s5, $0x1;
	s2 =	sadd.s32 s19, s18  }
0x9c: {  	s6 =	simm.s32 $0x0;
	s20 =	sshll.u32 s4, $0x1;
	s4 =	sadd.s32 s21, s2  }
0x9d: {  	[timem:s6], [sflag:s22] =	dma.local [hbm:s4], s20  }
0x9e: {  	_ =	swait.ge [sflag:s22], s20  }
0x9f: {  	s3 =	ssub.s32 $0x0, s20;
	[sflag:s22] =	ssyncset.done $0x0  }
0xa0: {  	[sflag:s22] =	ssyncadd.s32 s3;
	_ =	sdelay $0x1  }
0xa1: {  	s23 =	simm.s32 $0x1B8B  }
0xa2: {  	_ =	swait.ge [sflag:s23], $0x1  }
0xa3: {  	[sflag:s23] =	ssyncset.done $0x0  }
0xa4: {  	s25 =	simm.s32 $0x1B8E;
	s24 =	sld [smem:$0x3FFE];
	[sflag:s23] =	ssyncadd.s32 $0xFFFFFFFF  }
0xa5: {  	s26 =	simm.s32 $execute0_lowered;
	[smem:$0x3FD2] =	sst s25  }
0xa6: {  	s4 =	sshll.u32 s26, $0x1;
	_ =	strace $0x80000046;
	[dreg:$0x1] =	wrdreg $0xFFFFFFFF  }
0xa7: {  	s28 =	simm.s32 $_size_execute0_lowered;
	s2 =	sadd.s32 s2, s4;
	[dreg:$0x0] =	wrdreg $0x0  }
0xa8: {  	s4 =	sshll.u32 s28, $0x1;
	[dreg:$0x2] =	wrdreg s2  }
0xa9: {  	[dreg:$0x3] =	wrdreg s4  }
0xaa: {  	[dreg:$0x4] =	wrdreg $0xC0  }
0xab: {  	_ =	task [dreg:s6], $0x5FFFF  }
0xac: {  	[dreg:$0x1] =	wrdreg $0xFFFFFFFF  }
0xad: {  	[dreg:$0x0] =	wrdreg $0x60  }
0xae: {  	[dreg:$0x2] =	wrdreg s24  }
0xaf: {  	[dreg:$0x3] =	wrdreg $0x2B000  }
0xb0: {  	[dreg:$0x4] =	wrdreg $0x9  }
0xb1: {  	_ =	task.clear_ibuf [dreg:s6], $0x5FFFF;
	_ =	strace $0x90000046  }
0xb2: {  	s29 =	simm.s32 $0x9;
	_ =	strace $0x80000048  }
0xb3: {  	_ =	swait.ge [sflag:s29], $0x1  }
0xb4: {  	[sflag:s29] =	ssyncadd.s32 $0xFFFFFFFF  }
0xb5: {  	_ =	strace $0x90000048  }
0xb6: {  	_ =	sfence  }
0xb7: {  	s30 =	sld [smem:$0x0];
	_ =	sdelay $0x2  }
0xb8: {  	s31 =	sshll.u32 s1, $0xD;
	s1 =	sshrl.u32 s1, $0x2  }
0xb9: {  	s3 =	sand.u32 $0x4000, s31;
	s1 =	sadd.s32 s1, s30  }
0xba: {  	s0 =	sor.u32 s3, s0;
	s1 =	sshll.u32 s1, $0x11  }
0xbb: {  	s0 =	sor.u32 s1, s0  }
0xbc: {  	s0 =	sadd.s32 $0x8F2B, s0  }
0xbd: {  	[sflag:s0] =	ssyncadd.remote.s32 $0x1  }
0xbe: {  	_ =	sfence.sel $0xFFFF  }
0xbf: {  	[dreg:$0x0] =	wrdreg $0xFFFFFFFF;
	(pc) =	sbr.abs _section_cstart, $3  }
0xc0: {  	[dreg:$0x1] =	wrdreg $0xFFFFFFFF  }
0xc1: {  	_ =	task.clear_ibuf [dreg:s6], $0x2FFFF;
	_ =	strace $0x9FFFFFFF  }
0xc2: {  	(tm) =	ssettm $0x7FFFFFFF  }
0xc3: {  	_ =	shalt  }
tec
execute0_lowered:
.L_overlay_start_1:
0x0: {  	(tag) =	ssettag $0x1  }
0x1: {  	s4 =	rddreg [dreg:$0x0];
	s0 =	srdreg.scid  }
0x2: {  	s2 =	rddreg [dreg:$0x1];
	s1 =	stileid.u32  }
0x3: {  	s3 =	simm.s32 $0x0;
	s10 =	simm.s32 $0x80;
	s11 =	simm.s32 $0x2800  }
0x4: {  	s14 =	simm.s32 $0x20;
	s15 =	simm.s32 $0x10;
	s16 =	simm.s32 $0x0  }
0x5: {  	s5 =	sand.u32 $0x1, s0;
	s0 =	rddreg [dreg:$0x2];
	s7 =	smul.u32 $0x500, s1  }
0x6: {  	[smem:$0x7FF] =	sst s3;
	s30 =	smul.u32 $0xA00, s1;
	s12 =	sshll.u32 s1, $0x6  }
0x7: {  	s6 =	sshll.u32 s5, $0x4;
	s8 =	sshll.u32 s5, $0x7;
	_ =	strace $0x80000047  }
0x8: {  	s5 =	ssub.s32 $0x2, s5;
	s12 =	sor.u32 $0x1C01, s12;
	s6 =	sor.u32 s1, s6  }
0x9: {  	s7 =	sor.u32 s8, s7;
	s31 =	sshrl.u32 s5, $0x1;
	s6 =	smul.u32 $0x500, s6  }
0xa: {  	s8 =	sshrl.u32 s30, $0x2;
	s7 =	sshrl.u32 s7, $0x3;
	s9 =	ssub.s32 s5, s31  }
0xb: {  	s7 =	sadd.s32 s7, s4;
	s6 =	sadd.s32 s6, s4;
	s4 =	sadd.s32 s8, s2  }
0xc: {  	s8 =	simm.s32 $0x2880;
	s5 =	sadd.s32 $0x2C00, s6;
	s6 =	sadd.s32 $0xCC00, s7  }
0xd: {  	v0 =	vimm.f32 $0.0e+00;
	v1 =	vimm.f32 $1.000000000e+00;
	s7 =	smax.u32 s9, $0x1;
	s9 =	simm.s32 $0x1;
	s13 =	sshrl.u32 s4, $0x3  }
.LBB2_1:
0xe: {  	[tilespmem:$0x2880] =	vst v0  }
0xf: {  	[tilespmem:$0x2890] =	vst v0  }
0x10: {  	[tilespmem:$0x28A0] =	vst v0  }
0x11: {  	[tilespmem:$0x28B0] =	vst v0  }
0x12: {  	[tilespmem:$0x28C0] =	vst v0  }
0x13: {  	[tilespmem:$0x28D0] =	vst v0  }
0x14: {  	[tilespmem:$0x28E0] =	vst v0  }
0x15: {  	[tilespmem:$0x28F0] =	vst v0  }
0x16: {  	[tilespmem:$0x2900] =	vst v0  }
0x17: {  	[tilespmem:$0x2910] =	vst v0  }
0x18: {  	[tilespmem:$0x2920] =	vst v0  }
0x19: {  	[tilespmem:$0x2930] =	vst v0  }
0x1a: {  	[tilespmem:$0x2940] =	vst v0  }
0x1b: {  	[tilespmem:$0x2950] =	vst v0  }
0x1c: {  	[tilespmem:$0x2960] =	vst v0  }
0x1d: {  	[tilespmem:$0x2970] =	vst v0  }
0x1e: {  	[tilespmem:$0x2980] =	vst v0  }
0x1f: {  	[tilespmem:$0x2990] =	vst v0  }
0x20: {  	[tilespmem:$0x29A0] =	vst v0  }
0x21: {  	[tilespmem:$0x29B0] =	vst v0  }
0x22: {  	[tilespmem:$0x29C0] =	vst v0  }
0x23: {  	[tilespmem:$0x29D0] =	vst v0  }
0x24: {  	[tilespmem:$0x29E0] =	vst v0  }
0x25: {  	[tilespmem:$0x29F0] =	vst v0  }
0x26: {  	[tilespmem:$0x2A00] =	vst v0  }
0x27: {  	[tilespmem:$0x2A10] =	vst v0  }
0x28: {  	[tilespmem:$0x2A20] =	vst v0  }
0x29: {  	[tilespmem:$0x2A30] =	vst v0  }
0x2a: {  	[tilespmem:$0x2A40] =	vst v0  }
0x2b: {  	[tilespmem:$0x2A50] =	vst v0  }
0x2c: {  	[tilespmem:$0x2A60] =	vst v0  }
0x2d: {  	[tilespmem:$0x2A70] =	vst v0  }
0x2e: {  	[tilespmem:$0x2A80] =	vst v0  }
0x2f: {  	[tilespmem:$0x2A90] =	vst v0  }
0x30: {  	[tilespmem:$0x2AA0] =	vst v0  }
0x31: {  	[tilespmem:$0x2AB0] =	vst v0  }
0x32: {  	[tilespmem:$0x2AC0] =	vst v0  }
0x33: {  	[tilespmem:$0x2AD0] =	vst v0  }
0x34: {  	[tilespmem:$0x2AE0] =	vst v0  }
0x35: {  	[tilespmem:$0x2AF0] =	vst v0  }
0x36: {  	[tilespmem:$0x2800] =	vst v1  }
0x37: {  	[tilespmem:$0x2810] =	vst v1  }
0x38: {  	[tilespmem:$0x2820] =	vst v1  }
0x39: {  	[tilespmem:$0x2830] =	vst v1  }
0x3a: {  	[tilespmem:$0x2840] =	vst v1  }
0x3b: {  	[tilespmem:$0x2850] =	vst v1  }
0x3c: {  	[tilespmem:$0x2860] =	vst v1  }
0x3d: {  	[tilespmem:$0x2870] =	vst v1  }
0x3e: {  	[spmem:s4] =	stream.linear.scatter [tilespmem:s8], [sflag:$0x1], $0x280, $0x38;
	[tilespmem:$0x2D80] =	vst v63  }
0x3f: {  	_ =	swait.ge [sflag:s9], $0x280  }
0x40: {  	[sflag:s9] =	ssyncset.done $0x0  }
0x41: {  	[sflag:s9] =	ssyncadd.s32 $0xFFFFFD80  }
0x42: {  	[bflag:$0x0] =	sbarrier.arrive $0xFFFF  }
0x43: {  	[tilespmem:s3], [sflag:$0x1] =	stream.linear.gather [hbm4b:s5+s3], $0x2780, $0x38;
	[tilespmem:$0x2D80] =	vst v63  }
0x44: {  	_ =	swait.ge [sflag:s9], $0x2780  }
0x45: {  	[sflag:s9] =	ssyncset.done $0x0  }
0x46: {  	s17 =	simm.s32 $0x0;
	[sflag:s9] =	ssyncadd.s32 $0xFFFFD880  }
0x47: {  	[spmem:s2] =	stream.indirect.scatter.add.f32 [tilespmem:s11], [sflag:$0x1], $0x1, s17, s10, $0xb8;
	[tilespmem:$0x2D80] =	vst v63  }
0x48: {  	_ =	swait.ge [sflag:s9], $0x80  }
0x49: {  	s17 =	simm.s32 $0x200;
	[sflag:s9] =	ssyncset.done $0x0  }
.LBB2_2:
0x4a: {  	s18 =	sshra.s32 s17, $0x2;
	[sflag:s9] =	ssyncadd.s32 $0xFFFFFF80;
	p0 =	sne.s32 s17, $0x9C00  }
0x4b: {  	[spmem:s2] =	stream.indirect.scatter.add.f32 [tilespmem:s11], [sflag:$0x1], $0x1, s18, s10, $0xb8;
	[tilespmem:$0x2D80] =	vst v63  }
.Ltmp0:
0x4c: {  	_ = 	snop;
	(pc) =	sbr.rel @p0 .LBB2_2-.Ltmp0, $4  }
0x4d: {  	_ = 	snop  }
0x4e: {  	s17 =	sadd.s32 $0x200, s17  }
0x4f: {  	_ =	swait.ge [sflag:s9], $0x80  }
0x50: {  	[sflag:s9] =	ssyncset.done $0x0  }
0x51: {  	s16 =	sadd.s32 $0x1, s16  }
0x52: {  	[sflag:s9] =	ssyncadd.s32 $0xFFFFFF80;
	p0 =	sne.s32 s16, s7  }
.Ltmp1:
0x53: {  	[bflag:$0x0] =	sbarrier.arrive $0xFFFF;
	(pc) =	sbr.rel @p0 .LBB2_1-.Ltmp1, $4  }
0x54: {  	[hbm:s6@s14], [sflag:s12] =	dma.strided [spmem:s13@s15], $0x50, s9, $0x10   }
0x55: {  	_ =	swait.ge [sflag:s9], $0x50  }
0x56: {  	[sflag:s9] =	ssyncset.done $0x0  }
0x57: {  	[sflag:s9] =	ssyncadd.s32 $0xFFFFFFB0  }
0x58: {  	_ =	sfence.sel $0x180000  }
0x59: {  	[bflag:$0x0] =	sbarrier.arrive $0xFFFF  }
0x5a: {  	p0 =	sne.s32 s1, $0x0;
	_ =	strace $0x90000047  }
0x5b: {  	s0 =	sadd.s32 @!p0 $0x100000, s0;
	[bflag:$0x2] =	sbarrier.arrive $0xFFFF  }
0x5c: {  	[sflag:s0] =	ssyncadd.tile.s32 @!p0 $0x1;
	_ =	shalt  }
.Lfunc_end2:
_tile_overlayer_lowered:
.L_overlay_start_2:
0x5d: {  	(tag) =	ssettag $0x2  }
0x5e: {  	s0 =	rddreg [dreg:$0x0];
	s2 =	stileid.u32  }
0x5f: {  	s1 =	rddreg [dreg:$0x1];
	p0 =	sne.s32 s2, $0x0  }
0x60: {  	s3 =	rddreg [dreg:$0x2];
	[bflag:$0x3] =	sbarrier.arrive $0xFFFF;
	s2 =	simm.s32 @!p0 $0x1C01  }
0x61: {  	[timem:s3], [sflag:s2] =	dma.local @!p0 [hbm:s0], s1  }
0x62: {  	s0 =	simm.s32 @!p0 $0x1  }
0x63: {  	_ =	swait.ge @!p0 [sflag:s0], s1  }
0x64: {  	s1 =	ssub.s32 @!p0 $0x0, s1;
	[sflag:s0] =	ssyncset.done @!p0 $0x0  }
0x65: {  	[sflag:s0] =	ssyncadd.s32 @!p0 s1  }
0x66: {  	[bflag:$0x3] =	sbarrier.arrive $0xFFFF  }
0x67: {  	_ =	shalt  }

</sc_bundles>
